<compile_context>
chip_gen: v7x
topology: tpu7x:2x2x1
jax: 0.10.2.dev20260603
libtpu: 0.0.44.dev20260713+nightly
codegen_flags: <defaults>
</compile_context>

<pallas_src>
import functools

import jax
import jax.numpy as jnp
from jax import lax
from jax.experimental import pallas as pl
from jax.experimental.pallas import tpu as pltpu
from jax.experimental.pallas import tpu_sc as plsc

EMB = 64
NC = 2
NS = 16
NW = NC * NS

CHUNK = 128


def _sc_gather(ids_left, ids_right, table, n_pairs):
    p_per_w = n_pairs // NW
    n_chunks = p_per_w // CHUNK
    mesh = plsc.VectorSubcoreMesh(core_axis_name="c", subcore_axis_name="s")

    @functools.partial(
        pl.kernel,
        out_type=jax.ShapeDtypeStruct((n_pairs, 2 * EMB), jnp.float32),
        mesh=mesh,
        scratch_types=[
            pltpu.VMEM((p_per_w,), jnp.int32),
            pltpu.VMEM((p_per_w,), jnp.int32),
            pltpu.VMEM((2, CHUNK, EMB), jnp.float32),
            pltpu.VMEM((2, CHUNK, EMB), jnp.float32),
            pltpu.SemaphoreType.DMA,
            pltpu.SemaphoreType.DMA,
        ],
        compiler_params=pltpu.CompilerParams(use_tc_tiling_on_sc=False),
    )
    def k(ids_l_hbm, ids_r_hbm, table_hbm, out_hbm, idx_l, idx_r, buf_l,
          buf_r, sem_l, sem_r):
        wid = lax.axis_index("s") * NC + lax.axis_index("c")
        base = wid * p_per_w
        pltpu.sync_copy(ids_l_hbm.at[pl.ds(base, p_per_w)], idx_l)
        pltpu.sync_copy(ids_r_hbm.at[pl.ds(base, p_per_w)], idx_r)

        def start(g, slot):
            off = g * CHUNK
            pltpu.async_copy(
                table_hbm.at[idx_l.at[pl.ds(off, CHUNK)]], buf_l.at[slot],
                sem_l,
            )
            pltpu.async_copy(
                table_hbm.at[idx_r.at[pl.ds(off, CHUNK)]], buf_r.at[slot],
                sem_r,
            )

        def finish(g, slot):
            off = g * CHUNK
            pltpu.make_async_copy(
                table_hbm.at[idx_l.at[pl.ds(off, CHUNK)]], buf_l.at[slot],
                sem_l,
            ).wait()
            pltpu.make_async_copy(
                table_hbm.at[idx_r.at[pl.ds(off, CHUNK)]], buf_r.at[slot],
                sem_r,
            ).wait()
            rows = out_hbm.at[pl.ds(base + off, CHUNK)]
            pltpu.sync_copy(buf_l.at[slot], rows.at[:, pl.ds(0, EMB)])
            pltpu.sync_copy(buf_r.at[slot], rows.at[:, pl.ds(EMB, EMB)])

        start(0, 0)

        def body(o, carry):
            g0 = o * 2
            start(g0 + 1, 1)
            finish(g0, 0)

            @pl.when(o < n_chunks // 2 - 1)
            def _():
                start(g0 + 2, 0)

            finish(g0 + 1, 1)
            return carry

        lax.fori_loop(0, n_chunks // 2, body, 0)

    return k(ids_left, ids_right, table)


def _tc_dense(x2, pos2, W2, H, b2bc, g2bc, be2bc, S, Bn):
    N2, L = x2.shape
    BH = N2 // S

    def body(x_ref, p_ref, w_ref, h_ref, b_ref, g_ref, be_ref, o_ref):
        i = pl.program_id(0)
        x = x_ref[...]
        xp = x + p_ref[pl.ds(i, 1), :]
        yt = lax.dot_general(
            w_ref[...], xp, (((1,), (1,)), ((), ())),
            preferred_element_type=jnp.float32,
            precision=lax.Precision.DEFAULT,
        ) + b_ref[...]
        mu = lax.dot_general(
            h_ref[...], yt, (((1,), (0,)), ((), ())),
            preferred_element_type=jnp.float32,
            precision=lax.Precision.DEFAULT,
        )
        ysq = lax.dot_general(
            h_ref[...], yt * yt, (((1,), (0,)), ((), ())),
            preferred_element_type=jnp.float32,
            precision=lax.Precision.DEFAULT,
        )
        var = ysq - mu * mu
        ot = (yt - mu) * lax.rsqrt(var + 1e-5) * g_ref[...] + be_ref[...]
        o_ref[...] = jnp.concatenate(
            [ot[0:EMB, :], ot[EMB:2 * EMB, :]], axis=1
        )[None]

    return pl.pallas_call(
        body,
        grid=(S,),
        in_specs=[
            pl.BlockSpec((BH, L), lambda i: (i, 0)),
            pl.BlockSpec((S, L), lambda i: (0, 0)),
            pl.BlockSpec((L, L), lambda i: (0, 0)),
            pl.BlockSpec((L, L), lambda i: (0, 0)),
            pl.BlockSpec((L, BH), lambda i: (0, 0)),
            pl.BlockSpec((L, BH), lambda i: (0, 0)),
            pl.BlockSpec((L, BH), lambda i: (0, 0)),
        ],
        out_specs=pl.BlockSpec((1, EMB, Bn), lambda i: (i, 0, 0)),
        out_shape=jax.ShapeDtypeStruct((S, EMB, Bn), jnp.float32),
    )(x2, pos2, W2, H, b2bc, g2bc, be2bc)


def kernel(input_ids, tok_table, pos_table, W, b, gamma, beta):
    Bn, S = input_ids.shape
    n_pairs = Bn * S // 2
    bh = Bn // 2

    ids_t = input_ids.T.astype(jnp.int32)
    ids_left = ids_t[:, :bh].reshape(-1)
    ids_right = ids_t[:, bh:].reshape(-1)

    x2 = _sc_gather(ids_left, ids_right, tok_table, n_pairs)

    Z = jnp.zeros((EMB, EMB), dtype=jnp.float32)
    W2 = jnp.block([[W, Z], [Z, W]])
    H = jnp.kron(jnp.eye(2, dtype=jnp.float32),
                 jnp.full((EMB, EMB), 1.0 / EMB, dtype=jnp.float32))
    pos2 = jnp.concatenate([pos_table, pos_table], axis=1)
    b2bc = jnp.broadcast_to(
        jnp.concatenate([b, b]).reshape(2 * EMB, 1), (2 * EMB, bh))
    g2bc = jnp.broadcast_to(
        jnp.concatenate([gamma, gamma]).reshape(2 * EMB, 1), (2 * EMB, bh))
    be2bc = jnp.broadcast_to(
        jnp.concatenate([beta, beta]).reshape(2 * EMB, 1), (2 * EMB, bh))

    out_t = _tc_dense(x2, pos2, W2, H, b2bc, g2bc, be2bc, S, Bn)
    return jnp.transpose(out_t, (2, 0, 1))

# --- scband reference (transcript-rebuilt; emitter-appended) ---
"""Pipeline reference for scband-nokai-embedding-52716428591786 (READ-ONLY COPY).

The authoritative reference and input builder live on the scoring server;
editing this copy changes nothing except your own understanding.
"""

import jax, jax.numpy as jnp
import numpy as np

VOCAB = 1000000
EMB = 64
MAX_SEQ = 200
B = 4096
S = 200

def setup_inputs(seed: int = 0) -> dict:
    key = jax.random.key(seed)
    k1, k2, k3, k4, k5 = jax.random.split(key, 5)
    input_ids = jax.random.randint(k1, (B, S), 0, VOCAB, dtype=jnp.int64 if jax.config.jax_enable_x64 else jnp.int32)
    tok_table = jax.random.normal(k2, (VOCAB, EMB), dtype=jnp.float32) * 0.02
    pos_table = jax.random.normal(k3, (MAX_SEQ, EMB), dtype=jnp.float32) * 0.02
    W = jax.random.normal(k4, (EMB, EMB), dtype=jnp.float32) * (1.0 / np.sqrt(EMB))
    b = jnp.zeros((EMB,), dtype=jnp.float32)
    gamma = jnp.ones((EMB,), dtype=jnp.float32)
    beta = jnp.zeros((EMB,), dtype=jnp.float32)
    return {"input_ids": input_ids, "tok_table": tok_table, "pos_table": pos_table, "W": W, "b": b, "gamma": gamma, "beta": beta}

def _layernorm(x, gamma, beta, eps=1e-5):
    mu = jnp.mean(x, axis=-1, keepdims=True)
    var = jnp.mean((x - mu) ** 2, axis=-1, keepdims=True)
    return (x - mu) / jnp.sqrt(var + eps) * gamma + beta

def reference(input_ids, tok_table, pos_table, W, b, gamma, beta):
    seq_len = input_ids.shape[1]
    tok_emb = jnp.take(tok_table, input_ids, axis=0)
    positions = jnp.arange(seq_len)
    pos_emb = jnp.take(pos_table, positions, axis=0)
    x = tok_emb + pos_emb[None, :, :]
    x = jnp.dot(x, W.T) + b
    x = _layernorm(x, gamma, beta)
    # dropout p=0.0 (eval mode) -> identity
    return x

if __name__ == "__main__":
    import jax
    _d = setup_inputs()
    print(jax.jit(kernel)(*tuple(_d.values())))

</pallas_src>

<mosaic_0001>
#map = affine_map<(d0, d1) -> (0)>
#map1 = affine_map<(d0, d1) -> (0, 0)>
module attributes {stable_mosaic.version = 14 : i64} {
  func.func @k(%arg0: i32, %arg1: i32, %arg2: memref<409600xi32, #tpu.memory_space<hbm>>, %arg3: memref<409600xi32, #tpu.memory_space<hbm>>, %arg4: memref<1000000x64xf32, #tpu.memory_space<hbm>>, %arg5: memref<409600x128xf32, #tpu.memory_space<hbm>>, %arg6: memref<12800xi32, #tpu.memory_space<vmem>>, %arg7: memref<12800xi32, #tpu.memory_space<vmem>>, %arg8: memref<2x128x64xf32, #tpu.memory_space<vmem>>, %arg9: memref<2x128x64xf32, #tpu.memory_space<vmem>>, %arg10: memref<!tpu.dma_semaphore, #tpu.memory_space<semaphore_mem>>, %arg11: memref<!tpu.dma_semaphore, #tpu.memory_space<semaphore_mem>>) attributes {dimension_semantics = [#tpu.dimension_semantics<core_parallel>, #tpu.dimension_semantics<subcore_parallel>], iteration_bounds = array<i64: 2, 16>, scalar_prefetch = 0 : i64, scratch_operands = 6 : i64, tpu.core_type = #tpu.core_type<sc_vector_subcore>, window_params = [{transform_indices = #map}, {transform_indices = #map}, {transform_indices = #map1}, {transform_indices = #map1}]} {
    %mul3A = arith.constant 2 : i32
    %mul3A_0 = arith.muli %arg1, %mul3A : i32
    %add3A = arith.addi %mul3A_0, %arg0 : i32
    %mul3A_1 = arith.constant 12800 : i32
    %mul3A_2 = arith.muli %add3A, %mul3A_1 : i32
    "tpu.region"() ({
      %run_scoped3A = tpu.sem_alloc : memref<!tpu.dma_semaphore, #tpu.memory_space<semaphore_mem>>
      %dma_start3A_27 = tpu.memref_slice %arg2[%mul3A_2] : memref<409600xi32, #tpu.memory_space<hbm>> -> memref<12800xi32, #tpu.memory_space<hbm>>
      %dma_start3A_28 = tpu.memref_slice %arg2[%mul3A_2] : memref<409600xi32, #tpu.memory_space<hbm>> -> memref<12800xi32, #tpu.memory_space<hbm>>
      tpu.enqueue_dma source(%dma_start3A_28 : memref<12800xi32, #tpu.memory_space<hbm>>) target(%arg6 : memref<12800xi32, #tpu.memory_space<vmem>>) target_semaphore(%run_scoped3A : memref<!tpu.dma_semaphore, #tpu.memory_space<semaphore_mem>>)
      %dma_wait3A = tpu.memref_slice %arg2[%mul3A_2] : memref<409600xi32, #tpu.memory_space<hbm>> -> memref<12800xi32, #tpu.memory_space<hbm>>
      %dma_wait3A_29 = tpu.memref_slice %arg2[%mul3A_2] : memref<409600xi32, #tpu.memory_space<hbm>> -> memref<12800xi32, #tpu.memory_space<hbm>>
      tpu.wait_dma2 semaphore(%run_scoped3A : memref<!tpu.dma_semaphore, #tpu.memory_space<semaphore_mem>>) src(%dma_wait3A_29 : memref<12800xi32, #tpu.memory_space<hbm>>) dst(%arg6 : memref<12800xi32, #tpu.memory_space<vmem>>)
      tpu.yield
    }) : () -> ()
    "tpu.region"() ({
      %run_scoped3A = tpu.sem_alloc : memref<!tpu.dma_semaphore, #tpu.memory_space<semaphore_mem>>
      %dma_start3A_27 = tpu.memref_slice %arg3[%mul3A_2] : memref<409600xi32, #tpu.memory_space<hbm>> -> memref<12800xi32, #tpu.memory_space<hbm>>
      %dma_start3A_28 = tpu.memref_slice %arg3[%mul3A_2] : memref<409600xi32, #tpu.memory_space<hbm>> -> memref<12800xi32, #tpu.memory_space<hbm>>
      tpu.enqueue_dma source(%dma_start3A_28 : memref<12800xi32, #tpu.memory_space<hbm>>) target(%arg7 : memref<12800xi32, #tpu.memory_space<vmem>>) target_semaphore(%run_scoped3A : memref<!tpu.dma_semaphore, #tpu.memory_space<semaphore_mem>>)
      %dma_wait3A = tpu.memref_slice %arg3[%mul3A_2] : memref<409600xi32, #tpu.memory_space<hbm>> -> memref<12800xi32, #tpu.memory_space<hbm>>
      %dma_wait3A_29 = tpu.memref_slice %arg3[%mul3A_2] : memref<409600xi32, #tpu.memory_space<hbm>> -> memref<12800xi32, #tpu.memory_space<hbm>>
      tpu.wait_dma2 semaphore(%run_scoped3A : memref<!tpu.dma_semaphore, #tpu.memory_space<semaphore_mem>>) src(%dma_wait3A_29 : memref<12800xi32, #tpu.memory_space<hbm>>) dst(%arg7 : memref<12800xi32, #tpu.memory_space<vmem>>)
      tpu.yield
    }) : () -> ()
    %dma_start3A = arith.constant 0 : i32
    %dma_start3A_3 = arith.constant 0 : i32
    %dma_start3A_4 = arith.constant 0 : i32
    %dma_start3A_5 = tpu.memref_slice %arg8[%dma_start3A, %dma_start3A_3, %dma_start3A_4] : memref<2x128x64xf32, #tpu.memory_space<vmem>> -> memref<1x128x64xf32, #tpu.memory_space<vmem>>
    %dma_start3A_6 = tpu.memref_squeeze %dma_start3A_5 : memref<1x128x64xf32, #tpu.memory_space<vmem>> -> memref<128x64xf32, #tpu.memory_space<vmem>>
    %dma_start3A_7 = arith.constant 0 : i32
    %dma_start3A_8 = tpu.memref_slice %arg6[%dma_start3A_7] : memref<12800xi32, #tpu.memory_space<vmem>> -> memref<128xi32, #tpu.memory_space<vmem>>
    %dma_start3A_9 = arith.constant 0 : i32
    %dma_start3A_10 = arith.constant 0 : i32
    %dma_start3A_11 = tpu.memref_slice %arg4[%dma_start3A_9, %dma_start3A_10] : memref<1000000x64xf32, #tpu.memory_space<hbm>> -> memref<1000000x64xf32, #tpu.memory_space<hbm>>
    tpu.enqueue_indirect_dma source(%dma_start3A_11 : memref<1000000x64xf32, #tpu.memory_space<hbm>>) target(%dma_start3A_6 : memref<128x64xf32, #tpu.memory_space<vmem>>) offsets(%dma_start3A_8 : memref<128xi32, #tpu.memory_space<vmem>>) semaphore(%arg10 : memref<!tpu.dma_semaphore, #tpu.memory_space<semaphore_mem>>)
    %dma_start3A_12 = arith.constant 0 : i32
    %dma_start3A_13 = arith.constant 0 : i32
    %dma_start3A_14 = arith.constant 0 : i32
    %dma_start3A_15 = tpu.memref_slice %arg9[%dma_start3A_12, %dma_start3A_13, %dma_start3A_14] : memref<2x128x64xf32, #tpu.memory_space<vmem>> -> memref<1x128x64xf32, #tpu.memory_space<vmem>>
    %dma_start3A_16 = tpu.memref_squeeze %dma_start3A_15 : memref<1x128x64xf32, #tpu.memory_space<vmem>> -> memref<128x64xf32, #tpu.memory_space<vmem>>
    %dma_start3A_17 = arith.constant 0 : i32
    %dma_start3A_18 = tpu.memref_slice %arg7[%dma_start3A_17] : memref<12800xi32, #tpu.memory_space<vmem>> -> memref<128xi32, #tpu.memory_space<vmem>>
    %dma_start3A_19 = arith.constant 0 : i32
    %dma_start3A_20 = arith.constant 0 : i32
    %dma_start3A_21 = tpu.memref_slice %arg4[%dma_start3A_19, %dma_start3A_20] : memref<1000000x64xf32, #tpu.memory_space<hbm>> -> memref<1000000x64xf32, #tpu.memory_space<hbm>>
    tpu.enqueue_indirect_dma source(%dma_start3A_21 : memref<1000000x64xf32, #tpu.memory_space<hbm>>) target(%dma_start3A_16 : memref<128x64xf32, #tpu.memory_space<vmem>>) offsets(%dma_start3A_18 : memref<128xi32, #tpu.memory_space<vmem>>) semaphore(%arg11 : memref<!tpu.dma_semaphore, #tpu.memory_space<semaphore_mem>>)
    %scan3A = arith.constant 0 : i32
    %scan3A_22 = arith.constant 0 : i32
    %scan3A_23 = arith.constant 50 : i32
    %scan3A_24 = arith.addi %scan3A_22, %scan3A_23 : i32
    %scan3A_25 = arith.constant 1 : i32
    scf.for %scan3A_27 = %scan3A_22 to %scan3A_24 step %scan3A_25  : i32 {
      %mul3A_28 = arith.constant 2 : i32
      %mul3A_29 = arith.muli %scan3A_27, %mul3A_28 : i32
      %add3A_30 = arith.constant 1 : i32
      %add3A_31 = arith.addi %mul3A_29, %add3A_30 : i32
      %mul3A_32 = arith.constant 128 : i32
      %mul3A_33 = arith.muli %add3A_31, %mul3A_32 : i32
      %dma_start3A_34 = arith.constant 1 : i32
      %dma_start3A_35 = arith.constant 0 : i32
      %dma_start3A_36 = arith.constant 0 : i32
      %dma_start3A_37 = tpu.memref_slice %arg8[%dma_start3A_34, %dma_start3A_35, %dma_start3A_36] : memref<2x128x64xf32, #tpu.memory_space<vmem>> -> memref<1x128x64xf32, #tpu.memory_space<vmem>>
      %dma_start3A_38 = tpu.memref_squeeze %dma_start3A_37 : memref<1x128x64xf32, #tpu.memory_space<vmem>> -> memref<128x64xf32, #tpu.memory_space<vmem>>
      %dma_start3A_39 = tpu.memref_slice %arg6[%mul3A_33] : memref<12800xi32, #tpu.memory_space<vmem>> -> memref<128xi32, #tpu.memory_space<vmem>>
      %dma_start3A_40 = arith.constant 0 : i32
      %dma_start3A_41 = arith.constant 0 : i32
      %dma_start3A_42 = tpu.memref_slice %arg4[%dma_start3A_40, %dma_start3A_41] : memref<1000000x64xf32, #tpu.memory_space<hbm>> -> memref<1000000x64xf32, #tpu.memory_space<hbm>>
      tpu.enqueue_indirect_dma source(%dma_start3A_42 : memref<1000000x64xf32, #tpu.memory_space<hbm>>) target(%dma_start3A_38 : memref<128x64xf32, #tpu.memory_space<vmem>>) offsets(%dma_start3A_39 : memref<128xi32, #tpu.memory_space<vmem>>) semaphore(%arg10 : memref<!tpu.dma_semaphore, #tpu.memory_space<semaphore_mem>>)
      %dma_start3A_43 = arith.constant 1 : i32
      %dma_start3A_44 = arith.constant 0 : i32
      %dma_start3A_45 = arith.constant 0 : i32
      %dma_start3A_46 = tpu.memref_slice %arg9[%dma_start3A_43, %dma_start3A_44, %dma_start3A_45] : memref<2x128x64xf32, #tpu.memory_space<vmem>> -> memref<1x128x64xf32, #tpu.memory_space<vmem>>
      %dma_start3A_47 = tpu.memref_squeeze %dma_start3A_46 : memref<1x128x64xf32, #tpu.memory_space<vmem>> -> memref<128x64xf32, #tpu.memory_space<vmem>>
      %dma_start3A_48 = tpu.memref_slice %arg7[%mul3A_33] : memref<12800xi32, #tpu.memory_space<vmem>> -> memref<128xi32, #tpu.memory_space<vmem>>
      %dma_start3A_49 = arith.constant 0 : i32
      %dma_start3A_50 = arith.constant 0 : i32
      %dma_start3A_51 = tpu.memref_slice %arg4[%dma_start3A_49, %dma_start3A_50] : memref<1000000x64xf32, #tpu.memory_space<hbm>> -> memref<1000000x64xf32, #tpu.memory_space<hbm>>
      tpu.enqueue_indirect_dma source(%dma_start3A_51 : memref<1000000x64xf32, #tpu.memory_space<hbm>>) target(%dma_start3A_47 : memref<128x64xf32, #tpu.memory_space<vmem>>) offsets(%dma_start3A_48 : memref<128xi32, #tpu.memory_space<vmem>>) semaphore(%arg11 : memref<!tpu.dma_semaphore, #tpu.memory_space<semaphore_mem>>)
      %mul3A_52 = arith.constant 128 : i32
      %mul3A_53 = arith.muli %mul3A_29, %mul3A_52 : i32
      %dma_wait3A = arith.constant 0 : i32
      %dma_wait3A_54 = arith.constant 0 : i32
      %dma_wait3A_55 = arith.constant 0 : i32
      %dma_wait3A_56 = tpu.memref_slice %arg8[%dma_wait3A, %dma_wait3A_54, %dma_wait3A_55] : memref<2x128x64xf32, #tpu.memory_space<vmem>> -> memref<1x128x64xf32, #tpu.memory_space<vmem>>
      %dma_wait3A_57 = tpu.memref_squeeze %dma_wait3A_56 : memref<1x128x64xf32, #tpu.memory_space<vmem>> -> memref<128x64xf32, #tpu.memory_space<vmem>>
      %dma_wait3A_58 = tpu.memref_slice %arg6[%mul3A_53] : memref<12800xi32, #tpu.memory_space<vmem>> -> memref<128xi32, #tpu.memory_space<vmem>>
      %dma_wait3A_59 = arith.constant 0 : i32
      %dma_wait3A_60 = arith.constant 0 : i32
      %dma_wait3A_61 = tpu.memref_slice %arg4[%dma_wait3A_59, %dma_wait3A_60] : memref<1000000x64xf32, #tpu.memory_space<hbm>> -> memref<1000000x64xf32, #tpu.memory_space<hbm>>
      tpu.wait_indirect_dma semaphore(%arg10 : memref<!tpu.dma_semaphore, #tpu.memory_space<semaphore_mem>>) src(%dma_wait3A_61 : memref<1000000x64xf32, #tpu.memory_space<hbm>>) dst(%dma_wait3A_57 : memref<128x64xf32, #tpu.memory_space<vmem>>)
      %dma_wait3A_62 = arith.constant 0 : i32
      %dma_wait3A_63 = arith.constant 0 : i32
      %dma_wait3A_64 = arith.constant 0 : i32
      %dma_wait3A_65 = tpu.memref_slice %arg9[%dma_wait3A_62, %dma_wait3A_63, %dma_wait3A_64] : memref<2x128x64xf32, #tpu.memory_space<vmem>> -> memref<1x128x64xf32, #tpu.memory_space<vmem>>
      %dma_wait3A_66 = tpu.memref_squeeze %dma_wait3A_65 : memref<1x128x64xf32, #tpu.memory_space<vmem>> -> memref<128x64xf32, #tpu.memory_space<vmem>>
      %dma_wait3A_67 = tpu.memref_slice %arg7[%mul3A_53] : memref<12800xi32, #tpu.memory_space<vmem>> -> memref<128xi32, #tpu.memory_space<vmem>>
      %dma_wait3A_68 = arith.constant 0 : i32
      %dma_wait3A_69 = arith.constant 0 : i32
      %dma_wait3A_70 = tpu.memref_slice %arg4[%dma_wait3A_68, %dma_wait3A_69] : memref<1000000x64xf32, #tpu.memory_space<hbm>> -> memref<1000000x64xf32, #tpu.memory_space<hbm>>
      tpu.wait_indirect_dma semaphore(%arg11 : memref<!tpu.dma_semaphore, #tpu.memory_space<semaphore_mem>>) src(%dma_wait3A_70 : memref<1000000x64xf32, #tpu.memory_space<hbm>>) dst(%dma_wait3A_66 : memref<128x64xf32, #tpu.memory_space<vmem>>)
      %add3A_71 = arith.addi %mul3A_2, %mul3A_53 : i32
      %run_scoped3A = arith.constant 0 : i32
      "tpu.region"() ({
        %run_scoped3A_100 = tpu.sem_alloc : memref<!tpu.dma_semaphore, #tpu.memory_space<semaphore_mem>>
        %dma_start3A_101 = arith.constant 0 : i32
        %dma_start3A_102 = arith.constant 0 : i32
        %dma_start3A_103 = tpu.memref_slice %arg8[%run_scoped3A, %dma_start3A_101, %dma_start3A_102] : memref<2x128x64xf32, #tpu.memory_space<vmem>> -> memref<1x128x64xf32, #tpu.memory_space<vmem>>
        %dma_start3A_104 = tpu.memref_squeeze %dma_start3A_103 : memref<1x128x64xf32, #tpu.memory_space<vmem>> -> memref<128x64xf32, #tpu.memory_space<vmem>>
        %dma_start3A_105 = arith.constant 0 : i32
        %dma_start3A_106 = tpu.memref_slice %arg5[%add3A_71, %dma_start3A_105] : memref<409600x128xf32, #tpu.memory_space<hbm>> -> memref<128x128xf32, #tpu.memory_space<hbm>>
        %dma_start3A_107 = arith.constant 0 : i32
        %dma_start3A_108 = arith.constant 0 : i32
        %dma_start3A_109 = tpu.memref_slice %dma_start3A_106[%dma_start3A_107, %dma_start3A_108] : memref<128x128xf32, #tpu.memory_space<hbm>> -> memref<128x64xf32, #tpu.memory_space<hbm>>
        %dma_start3A_110 = arith.constant 0 : i32
        %dma_start3A_111 = tpu.memref_slice %arg5[%add3A_71, %dma_start3A_110] : memref<409600x128xf32, #tpu.memory_space<hbm>> -> memref<128x128xf32, #tpu.memory_space<hbm>>
        %dma_start3A_112 = arith.constant 0 : i32
        %dma_start3A_113 = arith.constant 0 : i32
        %dma_start3A_114 = tpu.memref_slice %dma_start3A_111[%dma_start3A_112, %dma_start3A_113] : memref<128x128xf32, #tpu.memory_space<hbm>> -> memref<128x64xf32, #tpu.memory_space<hbm>>
        %dma_start3A_115 = arith.constant 0 : i32
        %dma_start3A_116 = arith.constant 0 : i32
        %dma_start3A_117 = tpu.memref_slice %arg8[%run_scoped3A, %dma_start3A_115, %dma_start3A_116] : memref<2x128x64xf32, #tpu.memory_space<vmem>> -> memref<1x128x64xf32, #tpu.memory_space<vmem>>
        %dma_start3A_118 = tpu.memref_squeeze %dma_start3A_117 : memref<1x128x64xf32, #tpu.memory_space<vmem>> -> memref<128x64xf32, #tpu.memory_space<vmem>>
        tpu.enqueue_dma source(%dma_start3A_118 : memref<128x64xf32, #tpu.memory_space<vmem>>) target(%dma_start3A_114 : memref<128x64xf32, #tpu.memory_space<hbm>>) target_semaphore(%run_scoped3A_100 : memref<!tpu.dma_semaphore, #tpu.memory_space<semaphore_mem>>)
        %dma_wait3A_119 = arith.constant 0 : i32
        %dma_wait3A_120 = arith.constant 0 : i32
        %dma_wait3A_121 = tpu.memref_slice %arg8[%run_scoped3A, %dma_wait3A_119, %dma_wait3A_120] : memref<2x128x64xf32, #tpu.memory_space<vmem>> -> memref<1x128x64xf32, #tpu.memory_space<vmem>>
        %dma_wait3A_122 = tpu.memref_squeeze %dma_wait3A_121 : memref<1x128x64xf32, #tpu.memory_space<vmem>> -> memref<128x64xf32, #tpu.memory_space<vmem>>
        %dma_wait3A_123 = arith.constant 0 : i32
        %dma_wait3A_124 = tpu.memref_slice %arg5[%add3A_71, %dma_wait3A_123] : memref<409600x128xf32, #tpu.memory_space<hbm>> -> memref<128x128xf32, #tpu.memory_space<hbm>>
        %dma_wait3A_125 = arith.constant 0 : i32
        %dma_wait3A_126 = arith.constant 0 : i32
        %dma_wait3A_127 = tpu.memref_slice %dma_wait3A_124[%dma_wait3A_125, %dma_wait3A_126] : memref<128x128xf32, #tpu.memory_space<hbm>> -> memref<128x64xf32, #tpu.memory_space<hbm>>
        %dma_wait3A_128 = arith.constant 0 : i32
        %dma_wait3A_129 = tpu.memref_slice %arg5[%add3A_71, %dma_wait3A_128] : memref<409600x128xf32, #tpu.memory_space<hbm>> -> memref<128x128xf32, #tpu.memory_space<hbm>>
        %dma_wait3A_130 = arith.constant 0 : i32
        %dma_wait3A_131 = arith.constant 0 : i32
        %dma_wait3A_132 = tpu.memref_slice %dma_wait3A_129[%dma_wait3A_130, %dma_wait3A_131] : memref<128x128xf32, #tpu.memory_space<hbm>> -> memref<128x64xf32, #tpu.memory_space<hbm>>
        %dma_wait3A_133 = arith.constant 0 : i32
        %dma_wait3A_134 = arith.constant 0 : i32
        %dma_wait3A_135 = tpu.memref_slice %arg8[%run_scoped3A, %dma_wait3A_133, %dma_wait3A_134] : memref<2x128x64xf32, #tpu.memory_space<vmem>> -> memref<1x128x64xf32, #tpu.memory_space<vmem>>
        %dma_wait3A_136 = tpu.memref_squeeze %dma_wait3A_135 : memref<1x128x64xf32, #tpu.memory_space<vmem>> -> memref<128x64xf32, #tpu.memory_space<vmem>>
        tpu.wait_dma2 semaphore(%run_scoped3A_100 : memref<!tpu.dma_semaphore, #tpu.memory_space<semaphore_mem>>) src(%dma_wait3A_136 : memref<128x64xf32, #tpu.memory_space<vmem>>) dst(%dma_wait3A_132 : memref<128x64xf32, #tpu.memory_space<hbm>>)
        tpu.yield
      }) : () -> ()
      %run_scoped3A_72 = arith.constant 0 : i32
      "tpu.region"() ({
        %run_scoped3A_100 = tpu.sem_alloc : memref<!tpu.dma_semaphore, #tpu.memory_space<semaphore_mem>>
        %dma_start3A_101 = arith.constant 0 : i32
        %dma_start3A_102 = arith.constant 0 : i32
        %dma_start3A_103 = tpu.memref_slice %arg9[%run_scoped3A_72, %dma_start3A_101, %dma_start3A_102] : memref<2x128x64xf32, #tpu.memory_space<vmem>> -> memref<1x128x64xf32, #tpu.memory_space<vmem>>
        %dma_start3A_104 = tpu.memref_squeeze %dma_start3A_103 : memref<1x128x64xf32, #tpu.memory_space<vmem>> -> memref<128x64xf32, #tpu.memory_space<vmem>>
        %dma_start3A_105 = arith.constant 0 : i32
        %dma_start3A_106 = tpu.memref_slice %arg5[%add3A_71, %dma_start3A_105] : memref<409600x128xf32, #tpu.memory_space<hbm>> -> memref<128x128xf32, #tpu.memory_space<hbm>>
        %dma_start3A_107 = arith.constant 0 : i32
        %dma_start3A_108 = arith.constant 64 : i32
        %dma_start3A_109 = tpu.memref_slice %dma_start3A_106[%dma_start3A_107, %dma_start3A_108] : memref<128x128xf32, #tpu.memory_space<hbm>> -> memref<128x64xf32, #tpu.memory_space<hbm>>
        %dma_start3A_110 = arith.constant 0 : i32
        %dma_start3A_111 = tpu.memref_slice %arg5[%add3A_71, %dma_start3A_110] : memref<409600x128xf32, #tpu.memory_space<hbm>> -> memref<128x128xf32, #tpu.memory_space<hbm>>
        %dma_start3A_112 = arith.constant 0 : i32
        %dma_start3A_113 = arith.constant 64 : i32
        %dma_start3A_114 = tpu.memref_slice %dma_start3A_111[%dma_start3A_112, %dma_start3A_113] : memref<128x128xf32, #tpu.memory_space<hbm>> -> memref<128x64xf32, #tpu.memory_space<hbm>>
        %dma_start3A_115 = arith.constant 0 : i32
        %dma_start3A_116 = arith.constant 0 : i32
        %dma_start3A_117 = tpu.memref_slice %arg9[%run_scoped3A_72, %dma_start3A_115, %dma_start3A_116] : memref<2x128x64xf32, #tpu.memory_space<vmem>> -> memref<1x128x64xf32, #tpu.memory_space<vmem>>
        %dma_start3A_118 = tpu.memref_squeeze %dma_start3A_117 : memref<1x128x64xf32, #tpu.memory_space<vmem>> -> memref<128x64xf32, #tpu.memory_space<vmem>>
        tpu.enqueue_dma source(%dma_start3A_118 : memref<128x64xf32, #tpu.memory_space<vmem>>) target(%dma_start3A_114 : memref<128x64xf32, #tpu.memory_space<hbm>>) target_semaphore(%run_scoped3A_100 : memref<!tpu.dma_semaphore, #tpu.memory_space<semaphore_mem>>)
        %dma_wait3A_119 = arith.constant 0 : i32
        %dma_wait3A_120 = arith.constant 0 : i32
        %dma_wait3A_121 = tpu.memref_slice %arg9[%run_scoped3A_72, %dma_wait3A_119, %dma_wait3A_120] : memref<2x128x64xf32, #tpu.memory_space<vmem>> -> memref<1x128x64xf32, #tpu.memory_space<vmem>>
        %dma_wait3A_122 = tpu.memref_squeeze %dma_wait3A_121 : memref<1x128x64xf32, #tpu.memory_space<vmem>> -> memref<128x64xf32, #tpu.memory_space<vmem>>
        %dma_wait3A_123 = arith.constant 0 : i32
        %dma_wait3A_124 = tpu.memref_slice %arg5[%add3A_71, %dma_wait3A_123] : memref<409600x128xf32, #tpu.memory_space<hbm>> -> memref<128x128xf32, #tpu.memory_space<hbm>>
        %dma_wait3A_125 = arith.constant 0 : i32
        %dma_wait3A_126 = arith.constant 64 : i32
        %dma_wait3A_127 = tpu.memref_slice %dma_wait3A_124[%dma_wait3A_125, %dma_wait3A_126] : memref<128x128xf32, #tpu.memory_space<hbm>> -> memref<128x64xf32, #tpu.memory_space<hbm>>
        %dma_wait3A_128 = arith.constant 0 : i32
        %dma_wait3A_129 = tpu.memref_slice %arg5[%add3A_71, %dma_wait3A_128] : memref<409600x128xf32, #tpu.memory_space<hbm>> -> memref<128x128xf32, #tpu.memory_space<hbm>>
        %dma_wait3A_130 = arith.constant 0 : i32
        %dma_wait3A_131 = arith.constant 64 : i32
        %dma_wait3A_132 = tpu.memref_slice %dma_wait3A_129[%dma_wait3A_130, %dma_wait3A_131] : memref<128x128xf32, #tpu.memory_space<hbm>> -> memref<128x64xf32, #tpu.memory_space<hbm>>
        %dma_wait3A_133 = arith.constant 0 : i32
        %dma_wait3A_134 = arith.constant 0 : i32
        %dma_wait3A_135 = tpu.memref_slice %arg9[%run_scoped3A_72, %dma_wait3A_133, %dma_wait3A_134] : memref<2x128x64xf32, #tpu.memory_space<vmem>> -> memref<1x128x64xf32, #tpu.memory_space<vmem>>
        %dma_wait3A_136 = tpu.memref_squeeze %dma_wait3A_135 : memref<1x128x64xf32, #tpu.memory_space<vmem>> -> memref<128x64xf32, #tpu.memory_space<vmem>>
        tpu.wait_dma2 semaphore(%run_scoped3A_100 : memref<!tpu.dma_semaphore, #tpu.memory_space<semaphore_mem>>) src(%dma_wait3A_136 : memref<128x64xf32, #tpu.memory_space<vmem>>) dst(%dma_wait3A_132 : memref<128x64xf32, #tpu.memory_space<hbm>>)
        tpu.yield
      }) : () -> ()
      %lt3A = arith.constant 49 : i32
      %lt3A_73 = arith.cmpi slt, %scan3A_27, %lt3A : i32
      %convert_element_type3A = arith.extui %lt3A_73 : i1 to i32
      %cond3A = arith.constant 0 : i32
      %cond3A_74 = arith.cmpi ne, %convert_element_type3A, %cond3A : i32
      scf.if %cond3A_74 {
        %add3A_100 = arith.constant 2 : i32
        %add3A_101 = arith.addi %mul3A_29, %add3A_100 : i32
        %mul3A_102 = arith.constant 128 : i32
        %mul3A_103 = arith.muli %add3A_101, %mul3A_102 : i32
        %dma_start3A_104 = arith.constant 0 : i32
        %dma_start3A_105 = arith.constant 0 : i32
        %dma_start3A_106 = arith.constant 0 : i32
        %dma_start3A_107 = tpu.memref_slice %arg8[%dma_start3A_104, %dma_start3A_105, %dma_start3A_106] : memref<2x128x64xf32, #tpu.memory_space<vmem>> -> memref<1x128x64xf32, #tpu.memory_space<vmem>>
        %dma_start3A_108 = tpu.memref_squeeze %dma_start3A_107 : memref<1x128x64xf32, #tpu.memory_space<vmem>> -> memref<128x64xf32, #tpu.memory_space<vmem>>
        %dma_start3A_109 = tpu.memref_slice %arg6[%mul3A_103] : memref<12800xi32, #tpu.memory_space<vmem>> -> memref<128xi32, #tpu.memory_space<vmem>>
        %dma_start3A_110 = arith.constant 0 : i32
        %dma_start3A_111 = arith.constant 0 : i32
        %dma_start3A_112 = tpu.memref_slice %arg4[%dma_start3A_110, %dma_start3A_111] : memref<1000000x64xf32, #tpu.memory_space<hbm>> -> memref<1000000x64xf32, #tpu.memory_space<hbm>>
        tpu.enqueue_indirect_dma source(%dma_start3A_112 : memref<1000000x64xf32, #tpu.memory_space<hbm>>) target(%dma_start3A_108 : memref<128x64xf32, #tpu.memory_space<vmem>>) offsets(%dma_start3A_109 : memref<128xi32, #tpu.memory_space<vmem>>) semaphore(%arg10 : memref<!tpu.dma_semaphore, #tpu.memory_space<semaphore_mem>>)
        %dma_start3A_113 = arith.constant 0 : i32
        %dma_start3A_114 = arith.constant 0 : i32
        %dma_start3A_115 = arith.constant 0 : i32
        %dma_start3A_116 = tpu.memref_slice %arg9[%dma_start3A_113, %dma_start3A_114, %dma_start3A_115] : memref<2x128x64xf32, #tpu.memory_space<vmem>> -> memref<1x128x64xf32, #tpu.memory_space<vmem>>
        %dma_start3A_117 = tpu.memref_squeeze %dma_start3A_116 : memref<1x128x64xf32, #tpu.memory_space<vmem>> -> memref<128x64xf32, #tpu.memory_space<vmem>>
        %dma_start3A_118 = tpu.memref_slice %arg7[%mul3A_103] : memref<12800xi32, #tpu.memory_space<vmem>> -> memref<128xi32, #tpu.memory_space<vmem>>
        %dma_start3A_119 = arith.constant 0 : i32
        %dma_start3A_120 = arith.constant 0 : i32
        %dma_start3A_121 = tpu.memref_slice %arg4[%dma_start3A_119, %dma_start3A_120] : memref<1000000x64xf32, #tpu.memory_space<hbm>> -> memref<1000000x64xf32, #tpu.memory_space<hbm>>
        tpu.enqueue_indirect_dma source(%dma_start3A_121 : memref<1000000x64xf32, #tpu.memory_space<hbm>>) target(%dma_start3A_117 : memref<128x64xf32, #tpu.memory_space<vmem>>) offsets(%dma_start3A_118 : memref<128xi32, #tpu.memory_space<vmem>>) semaphore(%arg11 : memref<!tpu.dma_semaphore, #tpu.memory_space<semaphore_mem>>)
      } else {
      }
      %add3A_75 = arith.constant 1 : i32
      %add3A_76 = arith.addi %mul3A_29, %add3A_75 : i32
      %mul3A_77 = arith.constant 128 : i32
      %mul3A_78 = arith.muli %add3A_76, %mul3A_77 : i32
      %dma_wait3A_79 = arith.constant 1 : i32
      %dma_wait3A_80 = arith.constant 0 : i32
      %dma_wait3A_81 = arith.constant 0 : i32
      %dma_wait3A_82 = tpu.memref_slice %arg8[%dma_wait3A_79, %dma_wait3A_80, %dma_wait3A_81] : memref<2x128x64xf32, #tpu.memory_space<vmem>> -> memref<1x128x64xf32, #tpu.memory_space<vmem>>
      %dma_wait3A_83 = tpu.memref_squeeze %dma_wait3A_82 : memref<1x128x64xf32, #tpu.memory_space<vmem>> -> memref<128x64xf32, #tpu.memory_space<vmem>>
      %dma_wait3A_84 = tpu.memref_slice %arg6[%mul3A_78] : memref<12800xi32, #tpu.memory_space<vmem>> -> memref<128xi32, #tpu.memory_space<vmem>>
      %dma_wait3A_85 = arith.constant 0 : i32
      %dma_wait3A_86 = arith.constant 0 : i32
      %dma_wait3A_87 = tpu.memref_slice %arg4[%dma_wait3A_85, %dma_wait3A_86] : memref<1000000x64xf32, #tpu.memory_space<hbm>> -> memref<1000000x64xf32, #tpu.memory_space<hbm>>
      tpu.wait_indirect_dma semaphore(%arg10 : memref<!tpu.dma_semaphore, #tpu.memory_space<semaphore_mem>>) src(%dma_wait3A_87 : memref<1000000x64xf32, #tpu.memory_space<hbm>>) dst(%dma_wait3A_83 : memref<128x64xf32, #tpu.memory_space<vmem>>)
      %dma_wait3A_88 = arith.constant 1 : i32
      %dma_wait3A_89 = arith.constant 0 : i32
      %dma_wait3A_90 = arith.constant 0 : i32
      %dma_wait3A_91 = tpu.memref_slice %arg9[%dma_wait3A_88, %dma_wait3A_89, %dma_wait3A_90] : memref<2x128x64xf32, #tpu.memory_space<vmem>> -> memref<1x128x64xf32, #tpu.memory_space<vmem>>
      %dma_wait3A_92 = tpu.memref_squeeze %dma_wait3A_91 : memref<1x128x64xf32, #tpu.memory_space<vmem>> -> memref<128x64xf32, #tpu.memory_space<vmem>>
      %dma_wait3A_93 = tpu.memref_slice %arg7[%mul3A_78] : memref<12800xi32, #tpu.memory_space<vmem>> -> memref<128xi32, #tpu.memory_space<vmem>>
      %dma_wait3A_94 = arith.constant 0 : i32
      %dma_wait3A_95 = arith.constant 0 : i32
      %dma_wait3A_96 = tpu.memref_slice %arg4[%dma_wait3A_94, %dma_wait3A_95] : memref<1000000x64xf32, #tpu.memory_space<hbm>> -> memref<1000000x64xf32, #tpu.memory_space<hbm>>
      tpu.wait_indirect_dma semaphore(%arg11 : memref<!tpu.dma_semaphore, #tpu.memory_space<semaphore_mem>>) src(%dma_wait3A_96 : memref<1000000x64xf32, #tpu.memory_space<hbm>>) dst(%dma_wait3A_92 : memref<128x64xf32, #tpu.memory_space<vmem>>)
      %add3A_97 = arith.addi %mul3A_2, %mul3A_78 : i32
      %run_scoped3A_98 = arith.constant 1 : i32
      "tpu.region"() ({
        %run_scoped3A_100 = tpu.sem_alloc : memref<!tpu.dma_semaphore, #tpu.memory_space<semaphore_mem>>
        %dma_start3A_101 = arith.constant 0 : i32
        %dma_start3A_102 = arith.constant 0 : i32
        %dma_start3A_103 = tpu.memref_slice %arg8[%run_scoped3A_98, %dma_start3A_101, %dma_start3A_102] : memref<2x128x64xf32, #tpu.memory_space<vmem>> -> memref<1x128x64xf32, #tpu.memory_space<vmem>>
        %dma_start3A_104 = tpu.memref_squeeze %dma_start3A_103 : memref<1x128x64xf32, #tpu.memory_space<vmem>> -> memref<128x64xf32, #tpu.memory_space<vmem>>
        %dma_start3A_105 = arith.constant 0 : i32
        %dma_start3A_106 = tpu.memref_slice %arg5[%add3A_97, %dma_start3A_105] : memref<409600x128xf32, #tpu.memory_space<hbm>> -> memref<128x128xf32, #tpu.memory_space<hbm>>
        %dma_start3A_107 = arith.constant 0 : i32
        %dma_start3A_108 = arith.constant 0 : i32
        %dma_start3A_109 = tpu.memref_slice %dma_start3A_106[%dma_start3A_107, %dma_start3A_108] : memref<128x128xf32, #tpu.memory_space<hbm>> -> memref<128x64xf32, #tpu.memory_space<hbm>>
        %dma_start3A_110 = arith.constant 0 : i32
        %dma_start3A_111 = tpu.memref_slice %arg5[%add3A_97, %dma_start3A_110] : memref<409600x128xf32, #tpu.memory_space<hbm>> -> memref<128x128xf32, #tpu.memory_space<hbm>>
        %dma_start3A_112 = arith.constant 0 : i32
        %dma_start3A_113 = arith.constant 0 : i32
        %dma_start3A_114 = tpu.memref_slice %dma_start3A_111[%dma_start3A_112, %dma_start3A_113] : memref<128x128xf32, #tpu.memory_space<hbm>> -> memref<128x64xf32, #tpu.memory_space<hbm>>
        %dma_start3A_115 = arith.constant 0 : i32
        %dma_start3A_116 = arith.constant 0 : i32
        %dma_start3A_117 = tpu.memref_slice %arg8[%run_scoped3A_98, %dma_start3A_115, %dma_start3A_116] : memref<2x128x64xf32, #tpu.memory_space<vmem>> -> memref<1x128x64xf32, #tpu.memory_space<vmem>>
        %dma_start3A_118 = tpu.memref_squeeze %dma_start3A_117 : memref<1x128x64xf32, #tpu.memory_space<vmem>> -> memref<128x64xf32, #tpu.memory_space<vmem>>
        tpu.enqueue_dma source(%dma_start3A_118 : memref<128x64xf32, #tpu.memory_space<vmem>>) target(%dma_start3A_114 : memref<128x64xf32, #tpu.memory_space<hbm>>) target_semaphore(%run_scoped3A_100 : memref<!tpu.dma_semaphore, #tpu.memory_space<semaphore_mem>>)
        %dma_wait3A_119 = arith.constant 0 : i32
        %dma_wait3A_120 = arith.constant 0 : i32
        %dma_wait3A_121 = tpu.memref_slice %arg8[%run_scoped3A_98, %dma_wait3A_119, %dma_wait3A_120] : memref<2x128x64xf32, #tpu.memory_space<vmem>> -> memref<1x128x64xf32, #tpu.memory_space<vmem>>
        %dma_wait3A_122 = tpu.memref_squeeze %dma_wait3A_121 : memref<1x128x64xf32, #tpu.memory_space<vmem>> -> memref<128x64xf32, #tpu.memory_space<vmem>>
        %dma_wait3A_123 = arith.constant 0 : i32
        %dma_wait3A_124 = tpu.memref_slice %arg5[%add3A_97, %dma_wait3A_123] : memref<409600x128xf32, #tpu.memory_space<hbm>> -> memref<128x128xf32, #tpu.memory_space<hbm>>
        %dma_wait3A_125 = arith.constant 0 : i32
        %dma_wait3A_126 = arith.constant 0 : i32
        %dma_wait3A_127 = tpu.memref_slice %dma_wait3A_124[%dma_wait3A_125, %dma_wait3A_126] : memref<128x128xf32, #tpu.memory_space<hbm>> -> memref<128x64xf32, #tpu.memory_space<hbm>>
        %dma_wait3A_128 = arith.constant 0 : i32
        %dma_wait3A_129 = tpu.memref_slice %arg5[%add3A_97, %dma_wait3A_128] : memref<409600x128xf32, #tpu.memory_space<hbm>> -> memref<128x128xf32, #tpu.memory_space<hbm>>
        %dma_wait3A_130 = arith.constant 0 : i32
        %dma_wait3A_131 = arith.constant 0 : i32
        %dma_wait3A_132 = tpu.memref_slice %dma_wait3A_129[%dma_wait3A_130, %dma_wait3A_131] : memref<128x128xf32, #tpu.memory_space<hbm>> -> memref<128x64xf32, #tpu.memory_space<hbm>>
        %dma_wait3A_133 = arith.constant 0 : i32
        %dma_wait3A_134 = arith.constant 0 : i32
        %dma_wait3A_135 = tpu.memref_slice %arg8[%run_scoped3A_98, %dma_wait3A_133, %dma_wait3A_134] : memref<2x128x64xf32, #tpu.memory_space<vmem>> -> memref<1x128x64xf32, #tpu.memory_space<vmem>>
        %dma_wait3A_136 = tpu.memref_squeeze %dma_wait3A_135 : memref<1x128x64xf32, #tpu.memory_space<vmem>> -> memref<128x64xf32, #tpu.memory_space<vmem>>
        tpu.wait_dma2 semaphore(%run_scoped3A_100 : memref<!tpu.dma_semaphore, #tpu.memory_space<semaphore_mem>>) src(%dma_wait3A_136 : memref<128x64xf32, #tpu.memory_space<vmem>>) dst(%dma_wait3A_132 : memref<128x64xf32, #tpu.memory_space<hbm>>)
        tpu.yield
      }) : () -> ()
      %run_scoped3A_99 = arith.constant 1 : i32
      "tpu.region"() ({
        %run_scoped3A_100 = tpu.sem_alloc : memref<!tpu.dma_semaphore, #tpu.memory_space<semaphore_mem>>
        %dma_start3A_101 = arith.constant 0 : i32
        %dma_start3A_102 = arith.constant 0 : i32
        %dma_start3A_103 = tpu.memref_slice %arg9[%run_scoped3A_99, %dma_start3A_101, %dma_start3A_102] : memref<2x128x64xf32, #tpu.memory_space<vmem>> -> memref<1x128x64xf32, #tpu.memory_space<vmem>>
        %dma_start3A_104 = tpu.memref_squeeze %dma_start3A_103 : memref<1x128x64xf32, #tpu.memory_space<vmem>> -> memref<128x64xf32, #tpu.memory_space<vmem>>
        %dma_start3A_105 = arith.constant 0 : i32
        %dma_start3A_106 = tpu.memref_slice %arg5[%add3A_97, %dma_start3A_105] : memref<409600x128xf32, #tpu.memory_space<hbm>> -> memref<128x128xf32, #tpu.memory_space<hbm>>
        %dma_start3A_107 = arith.constant 0 : i32
        %dma_start3A_108 = arith.constant 64 : i32
        %dma_start3A_109 = tpu.memref_slice %dma_start3A_106[%dma_start3A_107, %dma_start3A_108] : memref<128x128xf32, #tpu.memory_space<hbm>> -> memref<128x64xf32, #tpu.memory_space<hbm>>
        %dma_start3A_110 = arith.constant 0 : i32
        %dma_start3A_111 = tpu.memref_slice %arg5[%add3A_97, %dma_start3A_110] : memref<409600x128xf32, #tpu.memory_space<hbm>> -> memref<128x128xf32, #tpu.memory_space<hbm>>
        %dma_start3A_112 = arith.constant 0 : i32
        %dma_start3A_113 = arith.constant 64 : i32
        %dma_start3A_114 = tpu.memref_slice %dma_start3A_111[%dma_start3A_112, %dma_start3A_113] : memref<128x128xf32, #tpu.memory_space<hbm>> -> memref<128x64xf32, #tpu.memory_space<hbm>>
        %dma_start3A_115 = arith.constant 0 : i32
        %dma_start3A_116 = arith.constant 0 : i32
        %dma_start3A_117 = tpu.memref_slice %arg9[%run_scoped3A_99, %dma_start3A_115, %dma_start3A_116] : memref<2x128x64xf32, #tpu.memory_space<vmem>> -> memref<1x128x64xf32, #tpu.memory_space<vmem>>
        %dma_start3A_118 = tpu.memref_squeeze %dma_start3A_117 : memref<1x128x64xf32, #tpu.memory_space<vmem>> -> memref<128x64xf32, #tpu.memory_space<vmem>>
        tpu.enqueue_dma source(%dma_start3A_118 : memref<128x64xf32, #tpu.memory_space<vmem>>) target(%dma_start3A_114 : memref<128x64xf32, #tpu.memory_space<hbm>>) target_semaphore(%run_scoped3A_100 : memref<!tpu.dma_semaphore, #tpu.memory_space<semaphore_mem>>)
        %dma_wait3A_119 = arith.constant 0 : i32
        %dma_wait3A_120 = arith.constant 0 : i32
        %dma_wait3A_121 = tpu.memref_slice %arg9[%run_scoped3A_99, %dma_wait3A_119, %dma_wait3A_120] : memref<2x128x64xf32, #tpu.memory_space<vmem>> -> memref<1x128x64xf32, #tpu.memory_space<vmem>>
        %dma_wait3A_122 = tpu.memref_squeeze %dma_wait3A_121 : memref<1x128x64xf32, #tpu.memory_space<vmem>> -> memref<128x64xf32, #tpu.memory_space<vmem>>
        %dma_wait3A_123 = arith.constant 0 : i32
        %dma_wait3A_124 = tpu.memref_slice %arg5[%add3A_97, %dma_wait3A_123] : memref<409600x128xf32, #tpu.memory_space<hbm>> -> memref<128x128xf32, #tpu.memory_space<hbm>>
        %dma_wait3A_125 = arith.constant 0 : i32
        %dma_wait3A_126 = arith.constant 64 : i32
        %dma_wait3A_127 = tpu.memref_slice %dma_wait3A_124[%dma_wait3A_125, %dma_wait3A_126] : memref<128x128xf32, #tpu.memory_space<hbm>> -> memref<128x64xf32, #tpu.memory_space<hbm>>
        %dma_wait3A_128 = arith.constant 0 : i32
        %dma_wait3A_129 = tpu.memref_slice %arg5[%add3A_97, %dma_wait3A_128] : memref<409600x128xf32, #tpu.memory_space<hbm>> -> memref<128x128xf32, #tpu.memory_space<hbm>>
        %dma_wait3A_130 = arith.constant 0 : i32
        %dma_wait3A_131 = arith.constant 64 : i32
        %dma_wait3A_132 = tpu.memref_slice %dma_wait3A_129[%dma_wait3A_130, %dma_wait3A_131] : memref<128x128xf32, #tpu.memory_space<hbm>> -> memref<128x64xf32, #tpu.memory_space<hbm>>
        %dma_wait3A_133 = arith.constant 0 : i32
        %dma_wait3A_134 = arith.constant 0 : i32
        %dma_wait3A_135 = tpu.memref_slice %arg9[%run_scoped3A_99, %dma_wait3A_133, %dma_wait3A_134] : memref<2x128x64xf32, #tpu.memory_space<vmem>> -> memref<1x128x64xf32, #tpu.memory_space<vmem>>
        %dma_wait3A_136 = tpu.memref_squeeze %dma_wait3A_135 : memref<1x128x64xf32, #tpu.memory_space<vmem>> -> memref<128x64xf32, #tpu.memory_space<vmem>>
        tpu.wait_dma2 semaphore(%run_scoped3A_100 : memref<!tpu.dma_semaphore, #tpu.memory_space<semaphore_mem>>) src(%dma_wait3A_136 : memref<128x64xf32, #tpu.memory_space<vmem>>) dst(%dma_wait3A_132 : memref<128x64xf32, #tpu.memory_space<hbm>>)
        tpu.yield
      }) : () -> ()
    }
    %scan3A_26 = arith.constant 50 : i32
    return
  }
}

module attributes {stable_mosaic.version = 14 : i64} {
  func.func @body(%arg0: i32, %arg1: memref<2048x128xf32, #tpu.memory_space<vmem>>, %arg2: memref<200x128xf32, #tpu.memory_space<vmem>>, %arg3: memref<128x128xf32, #tpu.memory_space<vmem>>, %arg4: memref<128x128xf32, #tpu.memory_space<vmem>>, %arg5: memref<128x2048xf32, #tpu.memory_space<vmem>>, %arg6: memref<128x2048xf32, #tpu.memory_space<vmem>>, %arg7: memref<128x2048xf32, #tpu.memory_space<vmem>>, %arg8: memref<1x64x4096xf32, #tpu.memory_space<vmem>>) attributes {dimension_semantics = [#tpu.dimension_semantics<arbitrary>], iteration_bounds = array<i64: 200>, scalar_prefetch = 0 : i64, scratch_operands = 0 : i64, tpu.core_type = #tpu.core_type<tc>, window_params = [{transform_indices = @transform_0, window_bounds = array<i64: 2048, 128>}, {pipeline_mode = #tpu.pipeline_mode<synchronous>, transform_indices = @transform_1, window_bounds = array<i64: 200, 128>}, {pipeline_mode = #tpu.pipeline_mode<synchronous>, transform_indices = @transform_2, window_bounds = array<i64: 128, 128>}, {pipeline_mode = #tpu.pipeline_mode<synchronous>, transform_indices = @transform_3, window_bounds = array<i64: 128, 128>}, {pipeline_mode = #tpu.pipeline_mode<synchronous>, transform_indices = @transform_4, window_bounds = array<i64: 128, 2048>}, {pipeline_mode = #tpu.pipeline_mode<synchronous>, transform_indices = @transform_5, window_bounds = array<i64: 128, 2048>}, {pipeline_mode = #tpu.pipeline_mode<synchronous>, transform_indices = @transform_6, window_bounds = array<i64: 128, 2048>}, {transform_indices = @transform_7, window_bounds = array<i64: 1, 64, 4096>}]} {
    %get3A = arith.constant 0 : index
    %get3A_0 = arith.constant 0 : index
    %get3A_1 = vector.load %arg1[%get3A, %get3A_0] : memref<2048x128xf32, #tpu.memory_space<vmem>>, vector<2048x128xf32>
    %get3A_2 = arith.index_cast %arg0 : i32 to index
    %get3A_3 = arith.constant 0 : index
    %get3A_4 = vector.load %arg2[%get3A_2, %get3A_3] : memref<200x128xf32, #tpu.memory_space<vmem>>, vector<1x128xf32>
    %add3A = vector.broadcast %get3A_4 : vector<1x128xf32> to vector<2048x128xf32>
    %add3A_5 = arith.addf %get3A_1, %add3A : vector<2048x128xf32>
    %get3A_6 = arith.constant 0 : index
    %get3A_7 = arith.constant 0 : index
    %get3A_8 = vector.load %arg3[%get3A_6, %get3A_7] : memref<128x128xf32, #tpu.memory_space<vmem>>, vector<128x128xf32>
    %dot_general3A = arith.constant dense<0.000000e+00> : vector<128x2048xf32>
    %dot_general3A_9 = tpu.matmul %get3A_8, %add3A_5, %dot_general3A {dimension_numbers = #tpu.dot_dimension_numbers<[1], [1], [0], [0], [0, 0, 1, 0], [], []>, transpose_lhs_hint = false} : vector<128x128xf32>, vector<2048x128xf32>, vector<128x2048xf32> -> vector<128x2048xf32>
    %get3A_10 = arith.constant 0 : index
    %get3A_11 = arith.constant 0 : index
    %get3A_12 = vector.load %arg5[%get3A_10, %get3A_11] : memref<128x2048xf32, #tpu.memory_space<vmem>>, vector<128x2048xf32>
    %add3A_13 = arith.addf %dot_general3A_9, %get3A_12 : vector<128x2048xf32>
    %get3A_14 = arith.constant 0 : index
    %get3A_15 = arith.constant 0 : index
    %get3A_16 = vector.load %arg4[%get3A_14, %get3A_15] : memref<128x128xf32, #tpu.memory_space<vmem>>, vector<128x128xf32>
    %dot_general3A_17 = arith.constant dense<0.000000e+00> : vector<128x2048xf32>
    %dot_general3A_18 = tpu.matmul %get3A_16, %add3A_13, %dot_general3A_17 {dimension_numbers = #tpu.dot_dimension_numbers<[1], [0], [0], [1], [0, 0, 1, 1], [], []>, transpose_lhs_hint = false} : vector<128x128xf32>, vector<128x2048xf32>, vector<128x2048xf32> -> vector<128x2048xf32>
    %get3A_19 = arith.constant 0 : index
    %get3A_20 = arith.constant 0 : index
    %get3A_21 = vector.load %arg4[%get3A_19, %get3A_20] : memref<128x128xf32, #tpu.memory_space<vmem>>, vector<128x128xf32>
    %mul3A = arith.mulf %add3A_13, %add3A_13 : vector<128x2048xf32>
    %dot_general3A_22 = arith.constant dense<0.000000e+00> : vector<128x2048xf32>
    %dot_general3A_23 = tpu.matmul %get3A_21, %mul3A, %dot_general3A_22 {dimension_numbers = #tpu.dot_dimension_numbers<[1], [0], [0], [1], [0, 0, 1, 1], [], []>, transpose_lhs_hint = false} : vector<128x128xf32>, vector<128x2048xf32>, vector<128x2048xf32> -> vector<128x2048xf32>
    %mul3A_24 = arith.mulf %dot_general3A_18, %dot_general3A_18 : vector<128x2048xf32>
    %sub3A = arith.subf %dot_general3A_23, %mul3A_24 : vector<128x2048xf32>
    %sub3A_25 = arith.subf %add3A_13, %dot_general3A_18 : vector<128x2048xf32>
    %add3A_26 = arith.constant 9.99999974E-6 : f32
    %add3A_27 = vector.broadcast %add3A_26 : f32 to vector<128x2048xf32>
    %add3A_28 = arith.addf %sub3A, %add3A_27 : vector<128x2048xf32>
    %rsqrt3A = math.rsqrt %add3A_28 : vector<128x2048xf32>
    %mul3A_29 = arith.mulf %sub3A_25, %rsqrt3A : vector<128x2048xf32>
    %get3A_30 = arith.constant 0 : index
    %get3A_31 = arith.constant 0 : index
    %get3A_32 = vector.load %arg6[%get3A_30, %get3A_31] : memref<128x2048xf32, #tpu.memory_space<vmem>>, vector<128x2048xf32>
    %mul3A_33 = arith.mulf %mul3A_29, %get3A_32 : vector<128x2048xf32>
    %get3A_34 = arith.constant 0 : index
    %get3A_35 = arith.constant 0 : index
    %get3A_36 = vector.load %arg7[%get3A_34, %get3A_35] : memref<128x2048xf32, #tpu.memory_space<vmem>>, vector<128x2048xf32>
    %add3A_37 = arith.addf %mul3A_33, %get3A_36 : vector<128x2048xf32>
    %slice3A = vector.extract_strided_slice %add3A_37 {offsets = [0, 0], sizes = [64, 2048], strides = [1, 1]} : vector<128x2048xf32> to vector<64x2048xf32>
    %slice3A_38 = vector.extract_strided_slice %add3A_37 {offsets = [64, 0], sizes = [64, 2048], strides = [1, 1]} : vector<128x2048xf32> to vector<64x2048xf32>
    %concatenate3A = tpu.concatenate %slice3A, %slice3A_38 in 1 : vector<64x2048xf32>, vector<64x2048xf32> -> vector<64x4096xf32>
    %broadcast_in_dim3A = vector.shape_cast %concatenate3A : vector<64x4096xf32> to vector<1x64x4096xf32>
    %swap3A = arith.constant 0 : index
    %swap3A_39 = arith.constant 0 : index
    %swap3A_40 = arith.constant 0 : index
    %swap3A_41 = vector.load %arg8[%swap3A, %swap3A_39, %swap3A_40] : memref<1x64x4096xf32, #tpu.memory_space<vmem>>, vector<1x64x4096xf32>
    tpu.vector_store %arg8[%swap3A, %swap3A_39, %swap3A_40], %broadcast_in_dim3A {strides = array<i32>} : memref<1x64x4096xf32, #tpu.memory_space<vmem>>, vector<1x64x4096xf32>,
    return
  }
  func.func @transform_0(%arg0: i32) -> (i32, i32) {
    %c0_i32 = arith.constant 0 : i32
    %c0_i32_0 = arith.constant 0 : i32
    return %arg0, %c0_i32 : i32, i32
  }
  func.func @transform_1(%arg0: i32) -> (i32, i32) {
    %c0_i32 = arith.constant 0 : i32
    %c0_i32_0 = arith.constant 0 : i32
    %c0_i32_1 = arith.constant 0 : i32
    return %c0_i32, %c0_i32_0 : i32, i32
  }
  func.func @transform_2(%arg0: i32) -> (i32, i32) {
    %c0_i32 = arith.constant 0 : i32
    %c0_i32_0 = arith.constant 0 : i32
    %c0_i32_1 = arith.constant 0 : i32
    return %c0_i32, %c0_i32_0 : i32, i32
  }
  func.func @transform_3(%arg0: i32) -> (i32, i32) {
    %c0_i32 = arith.constant 0 : i32
    %c0_i32_0 = arith.constant 0 : i32
    %c0_i32_1 = arith.constant 0 : i32
    return %c0_i32, %c0_i32_0 : i32, i32
  }
  func.func @transform_4(%arg0: i32) -> (i32, i32) {
    %c0_i32 = arith.constant 0 : i32
    %c0_i32_0 = arith.constant 0 : i32
    %c0_i32_1 = arith.constant 0 : i32
    return %c0_i32, %c0_i32_0 : i32, i32
  }
  func.func @transform_5(%arg0: i32) -> (i32, i32) {
    %c0_i32 = arith.constant 0 : i32
    %c0_i32_0 = arith.constant 0 : i32
    %c0_i32_1 = arith.constant 0 : i32
    return %c0_i32, %c0_i32_0 : i32, i32
  }
  func.func @transform_6(%arg0: i32) -> (i32, i32) {
    %c0_i32 = arith.constant 0 : i32
    %c0_i32_0 = arith.constant 0 : i32
    %c0_i32_1 = arith.constant 0 : i32
    return %c0_i32, %c0_i32_0 : i32, i32
  }
  func.func @transform_7(%arg0: i32) -> (i32, i32, i32) {
    %c0_i32 = arith.constant 0 : i32
    %c0_i32_0 = arith.constant 0 : i32
    %c0_i32_1 = arith.constant 0 : i32
    return %arg0, %c0_i32, %c0_i32_0 : i32, i32, i32
  }
}

</mosaic_0001>

<sc_bundles>
// kernel: kernel.4.cloned.1.call-start
scs
__scs_entry_jumppad:
0x0: {  	(pc) =	sbr.rel $0x88, $3  }
0x1: {  	(tag) =	ssettag $0x0;
	lr =	simm.s32 $0x1  }
0x2: {  	[smem:$0x3F9A] =	sst lr;
	_ =	strace $0xD0000000  }
0x3: {  	_ = 	snop  }
0x4: {  	_ = 	snop  }
0x5: {  	_ = 	snop  }
0x6: {  	_ = 	snop  }
0x7: {  	_ = 	snop  }
__scs_overlays_trampoline_lowered:
0x8: {  	[smem:$0x3FA9] =	sst s0  }
0x9: {  	[smem:$0x3FAA] =	sst s1  }
0xa: {  	[smem:$0x3FAB] =	sst s2  }
0xb: {  	[smem:$0x3FAC] =	sst s3  }
0xc: {  	[smem:$0x3FAD] =	sst s4  }
0xd: {  	[smem:$0x3FAE] =	sst s5  }
0xe: {  	[smem:$0x3FAF] =	sst s6  }
0xf: {  	[smem:$0x3FB0] =	sst s7  }
0x10: {  	[smem:$0x3FB1] =	sst s8  }
0x11: {  	[smem:$0x3FB2] =	sst s9;
	s0 =	simm.s32 @!p0 $0x0  }
0x12: {  	s1 =	sld [smem:$0x3F98];
	s0 =	simm.s32 @p0 $0x1  }
0x13: {  	[smem:$0x3FB3] =	sst s0;
	s0 =	simm.s32 @!p1 $0x0  }
0x14: {  	s2 =	sld [smem:$0x3F97];
	s0 =	simm.s32 @p1 $0x1  }
0x15: {  	[smem:$0x3FB4] =	sst s0;
	s0 =	simm.s32 @!p2 $0x0  }
0x16: {  	s3 =	sld [smem:$0x3FDB];
	s0 =	simm.s32 @p2 $0x1  }
0x17: {  	s4 =	simm.s32 $0x1BF5;
	[smem:$0x3FB6] =	sst s0  }
0x18: {  	s0 =	sld [smem:$0x3F99];
	_ =	swait.ge [sflag:s4], $0x0  }
0x19: {  	s7 =	sld [smem:$0x3F9A]  }
0x1a: {  	s8 =	sadd.s32 $0xFFFFE003, lr  }
0x1b: {  	s9 =	sadd.s32 $0xFFFFFEF7, lr;
	s5 =	simm.s32 $0xFFFFFFFF;
	p2 =	slt.u32 s8, $0xFFFFF086  }
0x1c: {  	p1 =	slt.u32 s9, $0xF7A;
	s5 =	simm.s32 @!p2 $0x0  }
0x1d: {  	s5 =	simm.s32 @p1 $0x1;
	p0 =	seq.s32 s7, s2  }
0x1e: {  	s7 =	smul.u32 @!p0 $0xF7A, s2;
	p2 =	seq.s32 @!p0 s5, $0x0  }
0x1f: {  	s9 =	smul.u32 $0xF7A, s1;
	s8 =	simm.s32 @!p0 $0x1BF5;
	p2 =	por !p2, p0  }
0x20: {  	[sflag:s8] =	ssyncset.s32 @!p0 $0xFFFFF086;
	s6 =	sadd.s32 @!p0 s3, s7;
	s7 =	simm.s32 @!p0 $0x108  }
0x21: {  	s3 =	sadd.s32 s3, s9;
	s6 =	sadd.s32 @!p0 $0x88, s6;
	s7 =	simm.s32 @p2 $0x1082  }
0x22: {  	[simem:s7], [sflag:s8] =	dma.local @!p0 [hbm:s6], $0xF7A  }
0x23: {  	s9 =	sor.u32 $0xD0000000, s2;
	s6 =	simm.s32 $0x108;
	_ =	swait.ge @!p0 [sflag:s8], $0x0  }
0x24: {  	s3 =	sadd.s32 $0x88, s3;
	s6 =	simm.s32 @!p1 $0x1082;
	[sflag:s4] =	ssyncset.s32 $0xFFFFF086  }
0x25: {  	[simem:s6], [sflag:s4] =	dma.local [hbm:s3], $0xF7A  }
0x26: {  	[smem:$0x3F9A] =	sst s1;
	(tag) =	ssettag s2;
	_ =	strace s9  }
0x27: {  	s1 =	sld [smem:$0x3FAA]  }
0x28: {  	s2 =	sld [smem:$0x3FAB]  }
0x29: {  	s4 =	sld [smem:$0x3FAD]  }
0x2a: {  	p0 =	seq.s32 s5, $0x0;
	s5 =	sld [smem:$0x3FAE]  }
0x2b: {  	s6 =	sld [smem:$0x3FAF]  }
0x2c: {  	s7 =	sld [smem:$0x3FB0]  }
0x2d: {  	s3 =	simm.s32 $0x108;
	s8 =	sld [smem:$0x3FB1]  }
0x2e: {  	s3 =	simm.s32 @!p0 $0x1082;
	s9 =	sld [smem:$0x3FB2]  }
0x2f: {  	lr =	sadd.s32 s0, s3;
	s0 =	sld [smem:$0x3FA9]  }
0x30: {  	s3 =	sld [smem:$0x3FAC]  }
0x31: {  	[smem:$0x3FB5] =	sst s10  }
0x32: {  	s10 =	sld [smem:$0x3FB3];
	_ =	sdelay $0x3  }
0x33: {  	p0 =	seq.s32 s10, $0x1;
	s10 =	sld [smem:$0x3FB5];
	_ =	sdelay $0x3  }
0x34: {  	[smem:$0x3FB5] =	sst s10  }
0x35: {  	s10 =	sld [smem:$0x3FB4];
	_ =	sdelay $0x3  }
0x36: {  	p1 =	seq.s32 s10, $0x1;
	s10 =	sld [smem:$0x3FB5];
	_ =	sdelay $0x3  }
0x37: {  	[smem:$0x3FB5] =	sst s10  }
0x38: {  	s10 =	sld [smem:$0x3FB6]  }
0x39: {  	_ = 	snop;
	(pc) =	sbr.ind lr, $3  }
0x3a: {  	_ = 	snop  }
0x3b: {  	_ = 	snop  }
0x3c: {  	p2 =	seq.s32 s10, $0x1;
	s10 =	sld [smem:$0x3FB5]  }
0x3d: {  	_ =	shalt  }
0x3e: {  	_ =	shalt  }
0x3f: {  	_ =	shalt  }
0x40: {  	_ =	shalt  }
0x41: {  	_ =	shalt  }
0x42: {  	_ =	shalt  }
0x43: {  	_ =	shalt  }
0x44: {  	_ =	shalt  }
0x45: {  	_ =	shalt  }
0x46: {  	_ =	shalt  }
0x47: {  	_ =	shalt  }
0x48: {  	_ =	shalt  }
0x49: {  	_ =	shalt  }
0x4a: {  	_ =	shalt  }
0x4b: {  	_ =	shalt  }
0x4c: {  	_ =	shalt  }
0x4d: {  	_ =	shalt  }
0x4e: {  	_ =	shalt  }
0x4f: {  	_ =	shalt  }
0x50: {  	_ =	shalt  }
0x51: {  	_ =	shalt  }
0x52: {  	_ =	shalt  }
0x53: {  	_ =	shalt  }
0x54: {  	_ =	shalt  }
0x55: {  	_ =	shalt  }
0x56: {  	_ =	shalt  }
0x57: {  	_ =	shalt  }
0x58: {  	_ =	shalt  }
0x59: {  	_ =	shalt  }
0x5a: {  	_ =	shalt  }
0x5b: {  	_ =	shalt  }
0x5c: {  	_ =	shalt  }
0x5d: {  	_ =	shalt  }
0x5e: {  	_ =	shalt  }
0x5f: {  	_ =	shalt  }
0x60: {  	_ =	shalt  }
0x61: {  	_ =	shalt  }
0x62: {  	_ =	shalt  }
0x63: {  	_ =	shalt  }
0x64: {  	_ =	shalt  }
0x65: {  	_ =	shalt  }
0x66: {  	_ =	shalt  }
0x67: {  	_ =	shalt  }
0x68: {  	_ =	shalt  }
0x69: {  	_ =	shalt  }
0x6a: {  	_ =	shalt  }
0x6b: {  	_ =	shalt  }
0x6c: {  	_ =	shalt  }
0x6d: {  	_ =	shalt  }
0x6e: {  	_ =	shalt  }
0x6f: {  	_ =	shalt  }
0x70: {  	_ =	shalt  }
0x71: {  	_ =	shalt  }
0x72: {  	_ =	shalt  }
0x73: {  	_ =	shalt  }
0x74: {  	_ =	shalt  }
0x75: {  	_ =	shalt  }
0x76: {  	_ =	shalt  }
0x77: {  	_ =	shalt  }
0x78: {  	_ =	shalt  }
0x79: {  	_ =	shalt  }
0x7a: {  	_ =	shalt  }
0x7b: {  	_ =	shalt  }
0x7c: {  	_ =	shalt  }
0x7d: {  	_ =	shalt  }
0x7e: {  	_ =	shalt  }
0x7f: {  	_ =	shalt  }
0x80: {  	_ =	shalt  }
0x81: {  	_ =	shalt  }
0x82: {  	_ =	shalt  }
0x83: {  	_ =	shalt  }
0x84: {  	_ =	shalt  }
0x85: {  	_ =	shalt  }
0x86: {  	_ =	shalt  }
0x87: {  	_ =	shalt  }
.Lfunc_end0:
.L_simem_size_0:
called_computation_lowered:
.L_overlay_start_0:
0x88: {  	s2 =	sld [smem:$0x3FD9]  }
0x89: {  	s3 =	sld [smem:$0x3FFE];
	_ =	sdelay $0x1  }
0x8a: {  	s1 =	srdreg.scid  }
0x8b: {  	s0 =	sand.u32 $0x1, s1  }
0x8c: {  	s17 =	sshll.u32 s0, $0xA;
	s2 =	sadd.s32 s3, s2  }
0x8d: {  	s2 =	sadd.s32 s2, s17  }
0x8e: {  	[smem:$0x3FC1] =	sst s2  }
0x8f: {  	_ = 	snop  }
0x90: {  	s2 =	sld [smem:$0x3FD0];
	(tm) =	ssettm $0x1  }
0x91: {  	s18 =	sld [smem:$0x3FFB];
	_ =	sdelay $0x3  }
0x92: {  	_ =	strace s18  }
0x93: {  	s3 =	sld [smem:$0x3FFC];
	_ =	sdelay $0x3  }
0x94: {  	_ =	strace s3  }
0x95: {  	s3 =	sld [smem:$0x3FFD];
	_ =	sdelay $0x3  }
0x96: {  	_ =	strace s3  }
0x97: {  	_ =	strace $0x8FFFFFFF  }
0x98: {  	s19 =	sld [smem:$0x3FDB];
	_ =	sdelay $0x1  }
0x99: {  	s4 =	simm.s32 $_scs_section_size  }
0x9a: {  	s5 =	simm.s32 $_size__tile_overlayer_lowered;
	s6 =	simm.s32 $_tile_overlayer_lowered  }
0x9b: {  	s22 =	simm.s32 $0x1BFF;
	s21 =	sshll.u32 s6, $0x1;
	s3 =	sadd.s32 s4, s19  }
0x9c: {  	s7 =	simm.s32 $0x0;
	s20 =	sshll.u32 s5, $0x1;
	s5 =	sadd.s32 s21, s3  }
0x9d: {  	[timem:s7], [sflag:s22] =	dma.local [hbm:s5], s20  }
0x9e: {  	_ =	swait.ge [sflag:s22], s20  }
0x9f: {  	s4 =	ssub.s32 $0x0, s20;
	[sflag:s22] =	ssyncset.done $0x0  }
0xa0: {  	[sflag:s22] =	ssyncadd.s32 s4;
	_ =	sdelay $0x1  }
0xa1: {  	s23 =	simm.s32 $0x1B8B  }
0xa2: {  	_ =	swait.ge [sflag:s23], $0x1  }
0xa3: {  	[sflag:s23] =	ssyncset.done $0x0  }
0xa4: {  	s25 =	simm.s32 $0x1B8E;
	s24 =	sld [smem:$0x3FFE];
	[sflag:s23] =	ssyncadd.s32 $0xFFFFFFFF  }
0xa5: {  	s26 =	simm.s32 $execute0_lowered;
	[smem:$0x3FD2] =	sst s25  }
0xa6: {  	s5 =	sshll.u32 s26, $0x1;
	_ =	strace $0x80000046;
	[dreg:$0x1] =	wrdreg $0xFFFFFFFF  }
0xa7: {  	s28 =	simm.s32 $_size_execute0_lowered;
	s3 =	sadd.s32 s3, s5;
	[dreg:$0x0] =	wrdreg $0x0  }
0xa8: {  	s5 =	sshll.u32 s28, $0x1;
	[dreg:$0x2] =	wrdreg s3  }
0xa9: {  	[dreg:$0x3] =	wrdreg s5  }
0xaa: {  	[dreg:$0x4] =	wrdreg $0xC0  }
0xab: {  	_ =	task [dreg:s7], $0x5FFFF  }
0xac: {  	[dreg:$0x1] =	wrdreg $0xFFFFFFFF  }
0xad: {  	[dreg:$0x0] =	wrdreg $0x60  }
0xae: {  	[dreg:$0x2] =	wrdreg s2  }
0xaf: {  	[dreg:$0x3] =	wrdreg s24  }
0xb0: {  	[dreg:$0x4] =	wrdreg $0x9  }
0xb1: {  	_ =	task.clear_ibuf [dreg:s7], $0x5FFFF;
	_ =	strace $0x90000046  }
0xb2: {  	s29 =	simm.s32 $0x9;
	_ =	strace $0x80000048  }
0xb3: {  	_ =	swait.ge [sflag:s29], $0x1  }
0xb4: {  	[sflag:s29] =	ssyncadd.s32 $0xFFFFFFFF  }
0xb5: {  	_ =	strace $0x90000048  }
0xb6: {  	_ =	sfence  }
0xb7: {  	s30 =	sld [smem:$0x0];
	_ =	sdelay $0x2  }
0xb8: {  	s31 =	sshll.u32 s1, $0xD;
	s1 =	sshrl.u32 s1, $0x2  }
0xb9: {  	s3 =	sand.u32 $0x4000, s31;
	s1 =	sadd.s32 s1, s30  }
0xba: {  	s0 =	sor.u32 s3, s0;
	s1 =	sshll.u32 s1, $0x11  }
0xbb: {  	s0 =	sor.u32 s1, s0  }
0xbc: {  	s0 =	sadd.s32 $0x8F2B, s0  }
0xbd: {  	[sflag:s0] =	ssyncadd.remote.s32 $0x1  }
0xbe: {  	_ =	sfence.sel $0xFFFF  }
0xbf: {  	[dreg:$0x0] =	wrdreg $0xFFFFFFFF;
	(pc) =	sbr.abs _section_cstart, $3  }
0xc0: {  	[dreg:$0x1] =	wrdreg $0xFFFFFFFF  }
0xc1: {  	_ =	task.clear_ibuf [dreg:s7], $0x2FFFF;
	_ =	strace $0x9FFFFFFF  }
0xc2: {  	(tm) =	ssettm $0x7FFFFFFF  }
0xc3: {  	_ =	shalt  }
tec
execute0_lowered:
.L_overlay_start_1:
0x0: {  	(tag) =	ssettag $0x1  }
0x1: {  	s1 =	srdreg.scid;
	s4 =	rddreg [dreg:$0x0]  }
0x2: {  	s0 =	stileid.u32;
	s5 =	rddreg [dreg:$0x1];
	s2 =	simm.s32 $0x0  }
0x3: {  	s15 =	simm.s32 $0xA400;
	s16 =	simm.s32 $0x8400;
	s17 =	simm.s32 $0xC400  }
0x4: {  	s18 =	simm.s32 $0x1;
	s19 =	simm.s32 $0x2;
	s20 =	simm.s32 $0x40  }
0x5: {  	s21 =	simm.s32 $0x3180;
	s22 =	simm.s32 $0x6380;
	s13 =	smul.u32 $0x320000, s0  }
0x6: {  	s6 =	sand.u32 $0x1, s1;
	s1 =	rddreg [dreg:$0x2];
	s24 =	smul.u32 $0x6400, s0  }
0x7: {  	s23 =	sshll.u32 s0, $0x1;
	[smem:$0x7FF] =	sst s2;
	s26 =	smul.u32 $0x3200, s6  }
0x8: {  	s14 =	sadd.s32 $0xD800, s5;
	s3 =	sor.u32 s6, s23;
	s28 =	smul.u32 $0x190000, s6  }
0x9: {  	_ =	strace $0x80000047;
	s10 =	ssub.s32 $0x2, s6;
	s7 =	smul.u32 $0x3200, s3  }
0xa: {  	s23 =	simm.s32 $0x0;
	s8 =	smul.u32 $0x190000, s3;
	s12 =	sshrl.u32 s10, $0x1  }
0xb: {  	s11 =	smul.u32 $0x32000, s3;
	s3 =	sadd.s32 $0xF4FC00, s5;
	s10 =	ssub.s32 s10, s12  }
0xc: {  	s12 =	simm.s32 $0x3200;
	s7 =	sshrl.u32 s7, $0x3;
	s25 =	sshrl.u32 s8, $0x3  }
0xd: {  	s6 =	smax.u32 s10, $0x1;
	s8 =	sadd.s32 s26, s24;
	s29 =	sadd.s32 s14, s11  }
0xe: {  	s11 =	simm.s32 $0x3;
	s9 =	sadd.s32 s7, s5;
	s4 =	sadd.s32 s4, s7  }
0xf: {  	s7 =	sadd.s32 s14, s25;
	s30 =	sshll.u32 s8, $0x4;
	s8 =	sadd.s32 $0x31800, s29  }
0x10: {  	s5 =	sadd.s32 $0x1000, s9;
	s7 =	sadd.s32 $0x31000, s7;
	s9 =	sadd.s32 s28, s13  }
0x11: {  	s31 =	sadd.s32 s30, s14;
	s13 =	simm.s32 $0x80;
	s9 =	sshrl.u32 s9, $0x3  }
0x12: {  	s10 =	sadd.s32 $0x800, s31;
	s9 =	sadd.s32 s9, s14;
	s14 =	simm.s32 $0x6400  }
.LBB2_1:
0x13: {  	[tilespmem:s2], [sflag:$0x3] =	stream.linear.gather [hbm4b:s4+s2], $0x3200, $0x38;
	[tilespmem:$0xE400] =	vst v63  }
0x14: {  	_ =	swait.ge [sflag:s11], $0x3200  }
0x15: {  	[sflag:s11] =	ssyncset.done $0x0  }
0x16: {  	[sflag:s11] =	ssyncadd.s32 $0xFFFFCE00  }
0x17: {  	[tilespmem:s12], [sflag:$0x3] =	stream.linear.gather [hbm4b:s5+s2], $0x3200, $0x38;
	[tilespmem:$0xE400] =	vst v63  }
0x18: {  	_ =	swait.ge [sflag:s11], $0x3200  }
0x19: {  	[sflag:s11] =	ssyncset.done $0x0  }
0x1a: {  	[sflag:s11] =	ssyncadd.s32 $0xFFFFCE00  }
0x1b: {  	[tilespmem:s14], [sflag:$0x1] =	stream.indirect.gather [hbm4b:s3+s13], $0x40, s2, s13, $0xb8;
	[tilespmem:$0xE400] =	vst v63  }
0x1c: {  	_ = 	snop  }
0x1d: {  	[tilespmem:s15], [sflag:$0x2] =	stream.indirect.gather [hbm4b:s3+s13], $0x40, s12, s13, $0xb8;
	[tilespmem:$0xE400] =	vst v63  }
0x1e: {  	s24 =	simm.s32 $0x80  }
0x1f: {  	[tilespmem:s16], [sflag:$0x1] =	stream.indirect.gather [hbm4b:s3+s13], $0x40, s24, s13, $0xb8;
	[tilespmem:$0xE400] =	vst v63  }
0x20: {  	s25 =	simm.s32 $0x3280  }
0x21: {  	[tilespmem:s17], [sflag:$0x2] =	stream.indirect.gather [hbm4b:s3+s13], $0x40, s25, s13, $0xb8;
	[tilespmem:$0xE400] =	vst v63  }
0x22: {  	_ =	swait.ge [sflag:s18], $0x2000  }
0x23: {  	[sflag:s18] =	ssyncset.done $0x0  }
0x24: {  	[sflag:s18] =	ssyncadd.s32 $0xFFFFE000  }
0x25: {  	_ =	swait.ge [sflag:s19], $0x2000  }
0x26: {  	[sflag:s19] =	ssyncset.done $0x0  }
0x27: {  	[sflag:s19] =	ssyncadd.s32 $0xFFFFE000  }
0x28: {  	[hbm4b:s9+s20] =	stream.strided.scatter [tilespmem:s14], [sflag:$0x3], $0x2000, s13, s20, $0x38;
	[tilespmem:$0xE400] =	vst v63  }
0x29: {  	_ =	swait.ge [sflag:s11], $0x2000  }
0x2a: {  	[sflag:s11] =	ssyncset.done $0x0  }
0x2b: {  	s26 =	sadd.s32 $0x8, s9;
	[sflag:s11] =	ssyncadd.s32 $0xFFFFE000  }
0x2c: {  	[hbm4b:s26+s20] =	stream.strided.scatter [tilespmem:s15], [sflag:$0x3], $0x2000, s13, s20, $0x38;
	[tilespmem:$0xE400] =	vst v63  }
0x2d: {  	_ =	swait.ge [sflag:s11], $0x2000  }
0x2e: {  	[sflag:s11] =	ssyncset.done $0x0  }
0x2f: {  	s28 =	simm.s32 $0x100;
	[sflag:s11] =	ssyncadd.s32 $0xFFFFE000  }
0x30: {  	[tilespmem:s14], [sflag:$0x1] =	stream.indirect.gather [hbm4b:s3+s13], $0x40, s28, s13, $0xb8;
	[tilespmem:$0xE400] =	vst v63  }
0x31: {  	s29 =	simm.s32 $0x3300  }
0x32: {  	[tilespmem:s15], [sflag:$0x2] =	stream.indirect.gather [hbm4b:s3+s13], $0x40, s29, s13, $0xb8;
	[tilespmem:$0xE400] =	vst v63  }
0x33: {  	_ =	swait.ge [sflag:s18], $0x2000  }
0x34: {  	[sflag:s18] =	ssyncset.done $0x0  }
0x35: {  	[sflag:s18] =	ssyncadd.s32 $0xFFFFE000  }
0x36: {  	_ =	swait.ge [sflag:s19], $0x2000  }
0x37: {  	[sflag:s19] =	ssyncset.done $0x0  }
0x38: {  	[sflag:s19] =	ssyncadd.s32 $0xFFFFE000  }
0x39: {  	[hbm4b:s10+s20] =	stream.strided.scatter [tilespmem:s16], [sflag:$0x3], $0x2000, s13, s20, $0x38;
	[tilespmem:$0xE400] =	vst v63  }
0x3a: {  	_ =	swait.ge [sflag:s11], $0x2000  }
0x3b: {  	[sflag:s11] =	ssyncset.done $0x0  }
0x3c: {  	s31 =	sadd.s32 $0x8, s10;
	[sflag:s11] =	ssyncadd.s32 $0xFFFFE000  }
0x3d: {  	[hbm4b:s31+s20] =	stream.strided.scatter [tilespmem:s17], [sflag:$0x3], $0x2000, s13, s20, $0x38;
	[tilespmem:$0xE400] =	vst v63  }
0x3e: {  	s30 =	simm.s32 $0x800;
	s24 =	sadd.s32 $0x1000, s10;
	_ =	swait.ge [sflag:s11], $0x2000  }
0x3f: {  	s25 =	sadd.s32 $0x1000, s9;
	s26 =	simm.s32 $0x100;
	[sflag:s11] =	ssyncset.done $0x0  }
.LBB2_2:
0x40: {  	s31 =	sadd.s32 $0x80, s26  }
0x41: {  	[sflag:s11] =	ssyncadd.s32 $0xFFFFE000;
	s29 =	smov.u32 s30;
	s28 =	sadd.s32 $0x400, s30  }
0x42: {  	[tilespmem:s16], [sflag:$0x1] =	stream.indirect.gather [hbm4b:s3+s13], $0x40, s31, s13, $0xb8;
	[tilespmem:$0xE400] =	vst v63  }
0x43: {  	p0 =	sne.s32 s30, $0xC000;
	s30 =	sadd.s32 $0x3280, s26  }
0x44: {  	[tilespmem:s17], [sflag:$0x2] =	stream.indirect.gather [hbm4b:s3+s13], $0x40, s30, s13, $0xb8;
	[tilespmem:$0xE400] =	vst v63  }
0x45: {  	_ =	swait.ge [sflag:s18], $0x2000  }
0x46: {  	[sflag:s18] =	ssyncset.done $0x0  }
0x47: {  	[sflag:s18] =	ssyncadd.s32 $0xFFFFE000  }
0x48: {  	_ =	swait.ge [sflag:s19], $0x2000  }
0x49: {  	[sflag:s19] =	ssyncset.done $0x0  }
0x4a: {  	[sflag:s19] =	ssyncadd.s32 $0xFFFFE000  }
0x4b: {  	[hbm4b:s25+s20] =	stream.strided.scatter [tilespmem:s14], [sflag:$0x3], $0x2000, s13, s20, $0x38;
	[tilespmem:$0xE400] =	vst v63  }
0x4c: {  	_ =	swait.ge [sflag:s11], $0x2000  }
0x4d: {  	[sflag:s11] =	ssyncset.done $0x0  }
0x4e: {  	s30 =	sadd.s32 $0x8, s25;
	[sflag:s11] =	ssyncadd.s32 $0xFFFFE000  }
0x4f: {  	[hbm4b:s30+s20] =	stream.strided.scatter [tilespmem:s15], [sflag:$0x3], $0x2000, s13, s20, $0x38;
	[tilespmem:$0xE400] =	vst v63  }
0x50: {  	_ =	swait.ge [sflag:s11], $0x2000  }
0x51: {  	[sflag:s11] =	ssyncset.done $0x0  }
0x52: {  	s30 =	sadd.s32 $0x100, s26;
	[sflag:s11] =	ssyncadd.s32 $0xFFFFE000  }
0x53: {  	[tilespmem:s14], [sflag:$0x1] =	stream.indirect.gather [hbm4b:s3+s13], $0x40, s30, s13, $0xb8;
	[tilespmem:$0xE400] =	vst v63  }
0x54: {  	s26 =	sadd.s32 $0x3300, s26  }
0x55: {  	[tilespmem:s15], [sflag:$0x2] =	stream.indirect.gather [hbm4b:s3+s13], $0x40, s26, s13, $0xb8;
	[tilespmem:$0xE400] =	vst v63  }
0x56: {  	_ =	swait.ge [sflag:s18], $0x2000  }
0x57: {  	[sflag:s18] =	ssyncset.done $0x0  }
0x58: {  	[sflag:s18] =	ssyncadd.s32 $0xFFFFE000  }
0x59: {  	_ =	swait.ge [sflag:s19], $0x2000  }
0x5a: {  	[sflag:s19] =	ssyncset.done $0x0  }
0x5b: {  	[sflag:s19] =	ssyncadd.s32 $0xFFFFE000  }
0x5c: {  	[hbm4b:s24+s20] =	stream.strided.scatter [tilespmem:s16], [sflag:$0x3], $0x2000, s13, s20, $0x38;
	[tilespmem:$0xE400] =	vst v63  }
0x5d: {  	_ =	swait.ge [sflag:s11], $0x2000  }
.Ltmp0:
0x5e: {  	[sflag:s11] =	ssyncset.done $0x0;
	(pc) =	sbr.rel @p0 .LBB2_2-.Ltmp0, $4  }
0x5f: {  	s26 =	sadd.s32 $0x8, s24;
	[sflag:s11] =	ssyncadd.s32 $0xFFFFE000  }
0x60: {  	[hbm4b:s26+s20] =	stream.strided.scatter [tilespmem:s17], [sflag:$0x3], $0x2000, s13, s20, $0x38;
	[tilespmem:$0xE400] =	vst v63  }
0x61: {  	s25 =	sadd.s32 $0x1000, s25;
	s24 =	sadd.s32 $0x1000, s24;
	_ =	swait.ge [sflag:s11], $0x2000  }
0x62: {  	s30 =	smov.u32 s28;
	s26 =	sshra.s32 s29, $0x2;
	[sflag:s11] =	ssyncset.done $0x0  }
0x63: {  	s28 =	sadd.s32 $0x80, s26;
	[sflag:s11] =	ssyncadd.s32 $0xFFFFE000  }
0x64: {  	[tilespmem:s16], [sflag:$0x1] =	stream.indirect.gather [hbm4b:s3+s13], $0x40, s28, s13, $0xb8;
	[tilespmem:$0xE400] =	vst v63  }
0x65: {  	s29 =	sadd.s32 $0x3280, s26  }
0x66: {  	[tilespmem:s17], [sflag:$0x2] =	stream.indirect.gather [hbm4b:s3+s13], $0x40, s29, s13, $0xb8;
	[tilespmem:$0xE400] =	vst v63  }
0x67: {  	_ =	swait.ge [sflag:s18], $0x2000  }
0x68: {  	[sflag:s18] =	ssyncset.done $0x0  }
0x69: {  	[sflag:s18] =	ssyncadd.s32 $0xFFFFE000  }
0x6a: {  	_ =	swait.ge [sflag:s19], $0x2000  }
0x6b: {  	[sflag:s19] =	ssyncset.done $0x0  }
0x6c: {  	[sflag:s19] =	ssyncadd.s32 $0xFFFFE000  }
0x6d: {  	[hbm4b:s25+s20] =	stream.strided.scatter [tilespmem:s14], [sflag:$0x3], $0x2000, s13, s20, $0x38;
	[tilespmem:$0xE400] =	vst v63  }
0x6e: {  	_ =	swait.ge [sflag:s11], $0x2000  }
0x6f: {  	[sflag:s11] =	ssyncset.done $0x0  }
0x70: {  	s30 =	sadd.s32 $0x8, s25;
	[sflag:s11] =	ssyncadd.s32 $0xFFFFE000  }
0x71: {  	[hbm4b:s30+s20] =	stream.strided.scatter [tilespmem:s15], [sflag:$0x3], $0x2000, s13, s20, $0x38;
	[tilespmem:$0xE400] =	vst v63  }
0x72: {  	_ =	swait.ge [sflag:s11], $0x2000  }
0x73: {  	[sflag:s11] =	ssyncset.done $0x0  }
0x74: {  	s31 =	sadd.s32 $0x100, s26;
	[sflag:s11] =	ssyncadd.s32 $0xFFFFE000  }
0x75: {  	[tilespmem:s14], [sflag:$0x1] =	stream.indirect.gather [hbm4b:s3+s13], $0x40, s31, s13, $0xb8;
	[tilespmem:$0xE400] =	vst v63  }
0x76: {  	s28 =	sadd.s32 $0x3300, s26  }
0x77: {  	[tilespmem:s15], [sflag:$0x2] =	stream.indirect.gather [hbm4b:s3+s13], $0x40, s28, s13, $0xb8;
	[tilespmem:$0xE400] =	vst v63  }
0x78: {  	_ =	swait.ge [sflag:s18], $0x2000  }
0x79: {  	[sflag:s18] =	ssyncset.done $0x0  }
0x7a: {  	[sflag:s18] =	ssyncadd.s32 $0xFFFFE000  }
0x7b: {  	_ =	swait.ge [sflag:s19], $0x2000  }
0x7c: {  	[sflag:s19] =	ssyncset.done $0x0  }
0x7d: {  	[sflag:s19] =	ssyncadd.s32 $0xFFFFE000  }
0x7e: {  	[hbm4b:s24+s20] =	stream.strided.scatter [tilespmem:s16], [sflag:$0x3], $0x2000, s13, s20, $0x38;
	[tilespmem:$0xE400] =	vst v63  }
0x7f: {  	_ =	swait.ge [sflag:s11], $0x2000  }
0x80: {  	[sflag:s11] =	ssyncset.done $0x0  }
0x81: {  	s29 =	sadd.s32 $0x8, s24;
	[sflag:s11] =	ssyncadd.s32 $0xFFFFE000  }
0x82: {  	[hbm4b:s29+s20] =	stream.strided.scatter [tilespmem:s17], [sflag:$0x3], $0x2000, s13, s20, $0x38;
	[tilespmem:$0xE400] =	vst v63  }
0x83: {  	_ =	swait.ge [sflag:s11], $0x2000  }
0x84: {  	[sflag:s11] =	ssyncset.done $0x0  }
0x85: {  	[sflag:s11] =	ssyncadd.s32 $0xFFFFE000  }
0x86: {  	[tilespmem:s16], [sflag:$0x1] =	stream.indirect.gather [hbm4b:s3+s13], $0x40, s21, s13, $0xb8;
	[tilespmem:$0xE400] =	vst v63  }
0x87: {  	_ = 	snop  }
0x88: {  	[tilespmem:s17], [sflag:$0x2] =	stream.indirect.gather [hbm4b:s3+s13], $0x40, s22, s13, $0xb8;
	[tilespmem:$0xE400] =	vst v63  }
0x89: {  	_ =	swait.ge [sflag:s18], $0x2000  }
0x8a: {  	[sflag:s18] =	ssyncset.done $0x0  }
0x8b: {  	[sflag:s18] =	ssyncadd.s32 $0xFFFFE000  }
0x8c: {  	_ =	swait.ge [sflag:s19], $0x2000  }
0x8d: {  	[sflag:s19] =	ssyncset.done $0x0  }
0x8e: {  	[sflag:s19] =	ssyncadd.s32 $0xFFFFE000  }
0x8f: {  	[hbm4b:s7+s20] =	stream.strided.scatter [tilespmem:s14], [sflag:$0x3], $0x2000, s13, s20, $0x38;
	[tilespmem:$0xE400] =	vst v63  }
0x90: {  	_ =	swait.ge [sflag:s11], $0x2000  }
0x91: {  	[sflag:s11] =	ssyncset.done $0x0  }
0x92: {  	s30 =	sadd.s32 $0x8, s7;
	[sflag:s11] =	ssyncadd.s32 $0xFFFFE000  }
0x93: {  	[hbm4b:s30+s20] =	stream.strided.scatter [tilespmem:s15], [sflag:$0x3], $0x2000, s13, s20, $0x38;
	[tilespmem:$0xE400] =	vst v63  }
0x94: {  	_ =	swait.ge [sflag:s11], $0x2000  }
0x95: {  	[sflag:s11] =	ssyncset.done $0x0  }
0x96: {  	[sflag:s11] =	ssyncadd.s32 $0xFFFFE000  }
0x97: {  	_ =	swait.ge [sflag:s18], $0x2000  }
0x98: {  	[sflag:s18] =	ssyncset.done $0x0  }
0x99: {  	[sflag:s18] =	ssyncadd.s32 $0xFFFFE000  }
0x9a: {  	_ =	swait.ge [sflag:s19], $0x2000  }
0x9b: {  	[sflag:s19] =	ssyncset.done $0x0  }
0x9c: {  	[sflag:s19] =	ssyncadd.s32 $0xFFFFE000  }
0x9d: {  	[hbm4b:s8+s20] =	stream.strided.scatter [tilespmem:s16], [sflag:$0x3], $0x2000, s13, s20, $0x38;
	[tilespmem:$0xE400] =	vst v63  }
0x9e: {  	s23 =	sadd.s32 $0x1, s23;
	_ =	swait.ge [sflag:s11], $0x2000  }
0x9f: {  	p0 =	sne.s32 s23, s6;
	[sflag:s11] =	ssyncset.done $0x0  }
.Ltmp1:
0xa0: {  	s31 =	sadd.s32 $0x8, s8;
	[sflag:s11] =	ssyncadd.s32 $0xFFFFE000;
	(pc) =	sbr.rel @p0 .LBB2_1-.Ltmp1, $4  }
0xa1: {  	[hbm4b:s31+s20] =	stream.strided.scatter [tilespmem:s17], [sflag:$0x3], $0x2000, s13, s20, $0x38;
	[tilespmem:$0xE400] =	vst v63  }
0xa2: {  	_ =	swait.ge [sflag:s11], $0x2000  }
0xa3: {  	[sflag:s11] =	ssyncset.done $0x0  }
0xa4: {  	[sflag:s11] =	ssyncadd.s32 $0xFFFFE000  }
0xa5: {  	_ =	sfence.sel $0x180000  }
0xa6: {  	[bflag:$0x0] =	sbarrier.arrive $0xFFFF  }
0xa7: {  	p0 =	sne.s32 s0, $0x0;
	_ =	strace $0x90000047  }
0xa8: {  	s0 =	sadd.s32 @!p0 $0x100000, s1;
	[bflag:$0x2] =	sbarrier.arrive $0xFFFF  }
0xa9: {  	[sflag:s0] =	ssyncadd.tile.s32 @!p0 $0x1;
	_ =	shalt  }
.Lfunc_end2:
_tile_overlayer_lowered:
.L_overlay_start_2:
0xaa: {  	(tag) =	ssettag $0x2  }
0xab: {  	s0 =	rddreg [dreg:$0x0];
	s2 =	stileid.u32  }
0xac: {  	s1 =	rddreg [dreg:$0x1];
	p0 =	sne.s32 s2, $0x0  }
0xad: {  	s3 =	rddreg [dreg:$0x2];
	[bflag:$0x3] =	sbarrier.arrive $0xFFFF;
	s2 =	simm.s32 @!p0 $0x1C03  }
0xae: {  	[timem:s3], [sflag:s2] =	dma.local @!p0 [hbm:s0], s1  }
0xaf: {  	s0 =	simm.s32 @!p0 $0x3  }
0xb0: {  	_ =	swait.ge @!p0 [sflag:s0], s1  }
0xb1: {  	s1 =	ssub.s32 @!p0 $0x0, s1;
	[sflag:s0] =	ssyncset.done @!p0 $0x0  }
0xb2: {  	[sflag:s0] =	ssyncadd.s32 @!p0 s1  }
0xb3: {  	[bflag:$0x3] =	sbarrier.arrive $0xFFFF  }
0xb4: {  	_ =	shalt  }

</sc_bundles>
